<compile_context>
chip_gen: v7x
topology: tpu7x:2x2x1
jax: 0.10.2.dev20260603
libtpu: 0.0.44.dev20260713+nightly
codegen_flags: <defaults>
</compile_context>

<pallas_src>
import functools

import jax
import jax.numpy as jnp
from jax import lax
from jax.experimental import pallas as pl
from jax.experimental.pallas import tpu as pltpu
from jax.experimental.pallas import tpu_sc as plsc

NUM_SC = 2
NUM_SUBCORES = 16
NW = NUM_SC * NUM_SUBCORES


def _node_mask_sc(edge_index, n_pad):
    e = edge_index.shape[1]
    step = (e // NW) // 128 * 128
    wlen = e - (NW - 1) * step
    per_tile = n_pad // NUM_SUBCORES
    mesh = plsc.VectorSubcoreMesh(core_axis_name="c", subcore_axis_name="s")

    @functools.partial(
        pl.kernel,
        out_type=jax.ShapeDtypeStruct((NUM_SC, n_pad), jnp.int32),
        mesh=mesh,
        scratch_types=[
            pltpu.VMEM((2, wlen), jnp.int32),
            pltpu.VMEM((wlen // 2,), jnp.int32),
            pltpu.VMEM((wlen // 2,), jnp.int32),
            pltpu.VMEM((per_tile,), jnp.int32),
            pltpu.VMEM_SHARED((n_pad,), jnp.int32),
            pltpu.SemaphoreType.DMA,
        ],
    )
    def mask_kernel(edges_hbm, out_hbm, win_v, idx_a, idx_b, z_v, acc_sh, sem):
        c = lax.axis_index("c")
        s = lax.axis_index("s")
        wid = s * NUM_SC + c
        my_base = pl.multiple_of(s * per_tile, 8)
        win_base = pl.multiple_of(wid * step, 128)

        h = pltpu.async_copy(edges_hbm.at[:, pl.ds(win_base, wlen)], win_v, sem)
        for i in range(per_tile // 16):
            z_v[pl.ds(i * 16, 16)] = jnp.full((16,), -1, jnp.int32)
        pltpu.sync_copy(z_v, acc_sh.at[pl.ds(my_base, per_tile)])
        h.wait()

        half = wlen // 2

        def copy_dst_row(j, carry):
            for u in range(4):
                o = j * 64 + u * 16
                idx_a[pl.ds(o, 16)] = win_v[1, pl.ds(o, 16)]
                idx_b[pl.ds(o, 16)] = win_v[1, pl.ds(half + o, 16)]
            return carry

        lax.fori_loop(0, half // 64, copy_dst_row, 0)
        plsc.subcore_barrier()
        h1 = pltpu.async_copy(idx_a, acc_sh.at[idx_a], sem)
        h2 = pltpu.async_copy(idx_b, acc_sh.at[idx_b], sem)
        h1.wait()
        h2.wait()
        plsc.subcore_barrier()
        pltpu.sync_copy(
            acc_sh.at[pl.ds(my_base, per_tile)],
            out_hbm.at[c, pl.ds(my_base, per_tile)],
        )

    return mask_kernel(edge_index)


def _masked_matmul_tc(x, w, mask, blk):
    n, in_f = x.shape
    hf = w.shape[0]
    n_pad = mask.shape[1]

    def mm_kernel(x_ref, w_ref, m_ref, o_ref, mt_ref):
        i = pl.program_id(0)

        @pl.when(i == 0)
        def _():
            mt_ref[...] = jnp.transpose(m_ref[...], (1, 0))

        y = lax.dot_general(
            x_ref[...], w_ref[...], (((1,), (1,)), ((), ())),
            preferred_element_type=jnp.float32,
        )
        rows = pl.ds(i * blk, blk)
        d = jnp.maximum(mt_ref[rows, 0:1], mt_ref[rows, 1:2])
        o_ref[...] = jnp.where(d >= 0, y, 0.0)

    return pl.pallas_call(
        mm_kernel,
        grid=(n // blk,),
        in_specs=[
            pl.BlockSpec((blk, in_f), lambda i: (i, 0)),
            pl.BlockSpec((hf, in_f), lambda i: (0, 0)),
            pl.BlockSpec((NUM_SC, n_pad), lambda i: (0, 0)),
        ],
        out_specs=pl.BlockSpec((blk, hf), lambda i: (i, 0)),
        out_shape=jax.ShapeDtypeStruct((n, hf), jnp.float32),
        scratch_shapes=[pltpu.VMEM((n_pad, NUM_SC), jnp.int32)],
    )(x, w, mask)


def kernel(x, edge_index, W, a):
    del a
    n = x.shape[0]
    blk = 5000
    n_pad = ((n + 255) // 256) * 256
    mask = _node_mask_sc(edge_index, n_pad)
    return _masked_matmul_tc(x, W, mask, blk)

# --- scband reference (transcript-rebuilt; emitter-appended) ---
"""Pipeline reference for scband-gatlayer-lood-2087354106374 (READ-ONLY COPY).

The authoritative reference and input builder live on the scoring server;
editing this copy changes nothing except your own understanding.
"""

import jax, jax.numpy as jnp
import numpy as np

N = 10000
E = 320000
IN_F = 128
OUT_F = 32
HEADS = 4


def setup_inputs(seed: int = 0) -> dict:
    key = jax.random.key(seed)
    k1, k2, k3, k4 = jax.random.split(key, 4)
    x = jax.random.normal(k1, (N, IN_F), dtype=jnp.float32)
    edge_index = jax.random.randint(k2, (2, E), 0, N)
    # nn.Linear weights: W is (num_heads*out_features, in_features), a is (num_heads, 2*num_heads*out_features)
    W = (jax.random.normal(k3, (HEADS * OUT_F, IN_F), dtype=jnp.float32) / np.sqrt(IN_F)).astype(jnp.float32)
    a = (jax.random.normal(k4, (HEADS, 2 * HEADS * OUT_F), dtype=jnp.float32) / np.sqrt(2 * HEADS * OUT_F)).astype(jnp.float32)
    return {"x": x, "edge_index": edge_index, "W": W, "a": a}


def reference(x, edge_index, W, a):
    n = x.shape[0]
    e = edge_index.shape[1]
    src = edge_index[0]
    tgt = edge_index[1]
    # node_features = W(x).view(N, H, F)
    node_features = (x @ W.T).reshape(n, HEADS, OUT_F)
    source_repr = node_features[src]            # (E, H, F) gather
    target_repr = node_features[tgt]            # (E, H, F) gather
    cat = jnp.concatenate([source_repr, target_repr], axis=-1)  # (E, H, 2F)
    cat = cat.reshape(e, HEADS * 2 * OUT_F)
    attention_weights = cat @ a.T               # (E, H)
    attention_weights = jax.nn.leaky_relu(attention_weights, negative_slope=0.01)
    attention_exp = jnp.exp(attention_weights)  # (E, H)
    # scatter-add softmax denominator per target node
    softmax_denom = jax.ops.segment_sum(attention_exp, tgt, num_segments=n)  # (N, H)
    denom_per_edge = softmax_denom[tgt]         # (E, H) gather
    softmax = attention_exp / denom_per_edge
    weighted_target = target_repr * softmax[:, :, None]  # (E, H, F)
    output_features = jax.ops.segment_sum(weighted_target, tgt, num_segments=n)  # (N, H, F)
    # concat=True
    return output_features.reshape(n, HEADS * OUT_F)

if __name__ == "__main__":
    import jax
    _d = setup_inputs()
    print(jax.jit(kernel)(*tuple(_d.values())))

</pallas_src>

<mosaic_0001>
#map = affine_map<(d0, d1) -> (0, 0)>
module attributes {stable_mosaic.version = 14 : i64} {
  func.func @mask_kernel(%arg0: i32, %arg1: i32, %arg2: memref<2x320000xi32, #tpu.memory_space<hbm>>, %arg3: memref<2x10240xi32, #tpu.memory_space<hbm>>, %arg4: memref<2x10496xi32, #tpu.memory_space<vmem>>, %arg5: memref<5248xi32, #tpu.memory_space<vmem>>, %arg6: memref<5248xi32, #tpu.memory_space<vmem>>, %arg7: memref<640xi32, #tpu.memory_space<vmem>>, %arg8: memref<10240xi32, #tpu.memory_space<vmem_shared>>, %arg9: memref<!tpu.dma_semaphore, #tpu.memory_space<semaphore_mem>>) attributes {dimension_semantics = [#tpu.dimension_semantics<core_parallel>, #tpu.dimension_semantics<subcore_parallel>], iteration_bounds = array<i64: 2, 16>, scalar_prefetch = 0 : i64, scratch_operands = 6 : i64, tpu.core_type = #tpu.core_type<sc_vector_subcore>, window_params = [{transform_indices = #map}, {transform_indices = #map}]} {
    %mul3A = arith.constant 2 : i32
    %mul3A_0 = arith.muli %arg1, %mul3A : i32
    %add3A = arith.addi %mul3A_0, %arg0 : i32
    %mul3A_1 = arith.constant 640 : i32
    %mul3A_2 = arith.muli %arg1, %mul3A_1 : i32
    %multiple_of3A = tpu.assume_multiple %mul3A_2, 8 : i32
    %mul3A_3 = arith.constant 9984 : i32
    %mul3A_4 = arith.muli %add3A, %mul3A_3 : i32
    %multiple_of3A_5 = tpu.assume_multiple %mul3A_4, 128 : i32
    %dma_start3A = arith.constant 0 : i32
    %dma_start3A_6 = tpu.memref_slice %arg2[%dma_start3A, %multiple_of3A_5] : memref<2x320000xi32, #tpu.memory_space<hbm>> -> memref<2x10496xi32, #tpu.memory_space<hbm>>
    %dma_start3A_7 = arith.constant 0 : i32
    %dma_start3A_8 = tpu.memref_slice %arg2[%dma_start3A_7, %multiple_of3A_5] : memref<2x320000xi32, #tpu.memory_space<hbm>> -> memref<2x10496xi32, #tpu.memory_space<hbm>>
    tpu.enqueue_dma source(%dma_start3A_8 : memref<2x10496xi32, #tpu.memory_space<hbm>>) target(%arg4 : memref<2x10496xi32, #tpu.memory_space<vmem>>) target_semaphore(%arg9 : memref<!tpu.dma_semaphore, #tpu.memory_space<semaphore_mem>>)
    %broadcast_in_dim3A = arith.constant -1 : i32
    %broadcast_in_dim3A_9 = vector.broadcast %broadcast_in_dim3A : i32 to vector<16xi32>
    %swap3A = arith.constant 0 : index
    %swap3A_10 = tpu.vector_load %arg7[%swap3A] {strides = array<i32>} : memref<640xi32, #tpu.memory_space<vmem>>, vector<16xi32>,
    %swap3A_11 = vector.shape_cast %swap3A_10 : vector<16xi32> to vector<16xi32>
    %swap3A_12 = vector.shape_cast %broadcast_in_dim3A_9 : vector<16xi32> to vector<16xi32>
    tpu.vector_store %arg7[%swap3A], %swap3A_12 {strides = array<i32>} : memref<640xi32, #tpu.memory_space<vmem>>, vector<16xi32>,
    %broadcast_in_dim3A_13 = arith.constant -1 : i32
    %broadcast_in_dim3A_14 = vector.broadcast %broadcast_in_dim3A_13 : i32 to vector<16xi32>
    %swap3A_15 = arith.constant 16 : index
    %swap3A_16 = tpu.vector_load %arg7[%swap3A_15] {strides = array<i32>} : memref<640xi32, #tpu.memory_space<vmem>>, vector<16xi32>,
    %swap3A_17 = vector.shape_cast %swap3A_16 : vector<16xi32> to vector<16xi32>
    %swap3A_18 = vector.shape_cast %broadcast_in_dim3A_14 : vector<16xi32> to vector<16xi32>
    tpu.vector_store %arg7[%swap3A_15], %swap3A_18 {strides = array<i32>} : memref<640xi32, #tpu.memory_space<vmem>>, vector<16xi32>,
    %broadcast_in_dim3A_19 = arith.constant -1 : i32
    %broadcast_in_dim3A_20 = vector.broadcast %broadcast_in_dim3A_19 : i32 to vector<16xi32>
    %swap3A_21 = arith.constant 32 : index
    %swap3A_22 = tpu.vector_load %arg7[%swap3A_21] {strides = array<i32>} : memref<640xi32, #tpu.memory_space<vmem>>, vector<16xi32>,
    %swap3A_23 = vector.shape_cast %swap3A_22 : vector<16xi32> to vector<16xi32>
    %swap3A_24 = vector.shape_cast %broadcast_in_dim3A_20 : vector<16xi32> to vector<16xi32>
    tpu.vector_store %arg7[%swap3A_21], %swap3A_24 {strides = array<i32>} : memref<640xi32, #tpu.memory_space<vmem>>, vector<16xi32>,
    %broadcast_in_dim3A_25 = arith.constant -1 : i32
    %broadcast_in_dim3A_26 = vector.broadcast %broadcast_in_dim3A_25 : i32 to vector<16xi32>
    %swap3A_27 = arith.constant 48 : index
    %swap3A_28 = tpu.vector_load %arg7[%swap3A_27] {strides = array<i32>} : memref<640xi32, #tpu.memory_space<vmem>>, vector<16xi32>,
    %swap3A_29 = vector.shape_cast %swap3A_28 : vector<16xi32> to vector<16xi32>
    %swap3A_30 = vector.shape_cast %broadcast_in_dim3A_26 : vector<16xi32> to vector<16xi32>
    tpu.vector_store %arg7[%swap3A_27], %swap3A_30 {strides = array<i32>} : memref<640xi32, #tpu.memory_space<vmem>>, vector<16xi32>,
    %broadcast_in_dim3A_31 = arith.constant -1 : i32
    %broadcast_in_dim3A_32 = vector.broadcast %broadcast_in_dim3A_31 : i32 to vector<16xi32>
    %swap3A_33 = arith.constant 64 : index
    %swap3A_34 = tpu.vector_load %arg7[%swap3A_33] {strides = array<i32>} : memref<640xi32, #tpu.memory_space<vmem>>, vector<16xi32>,
    %swap3A_35 = vector.shape_cast %swap3A_34 : vector<16xi32> to vector<16xi32>
    %swap3A_36 = vector.shape_cast %broadcast_in_dim3A_32 : vector<16xi32> to vector<16xi32>
    tpu.vector_store %arg7[%swap3A_33], %swap3A_36 {strides = array<i32>} : memref<640xi32, #tpu.memory_space<vmem>>, vector<16xi32>,
    %broadcast_in_dim3A_37 = arith.constant -1 : i32
    %broadcast_in_dim3A_38 = vector.broadcast %broadcast_in_dim3A_37 : i32 to vector<16xi32>
    %swap3A_39 = arith.constant 80 : index
    %swap3A_40 = tpu.vector_load %arg7[%swap3A_39] {strides = array<i32>} : memref<640xi32, #tpu.memory_space<vmem>>, vector<16xi32>,
    %swap3A_41 = vector.shape_cast %swap3A_40 : vector<16xi32> to vector<16xi32>
    %swap3A_42 = vector.shape_cast %broadcast_in_dim3A_38 : vector<16xi32> to vector<16xi32>
    tpu.vector_store %arg7[%swap3A_39], %swap3A_42 {strides = array<i32>} : memref<640xi32, #tpu.memory_space<vmem>>, vector<16xi32>,
    %broadcast_in_dim3A_43 = arith.constant -1 : i32
    %broadcast_in_dim3A_44 = vector.broadcast %broadcast_in_dim3A_43 : i32 to vector<16xi32>
    %swap3A_45 = arith.constant 96 : index
    %swap3A_46 = tpu.vector_load %arg7[%swap3A_45] {strides = array<i32>} : memref<640xi32, #tpu.memory_space<vmem>>, vector<16xi32>,
    %swap3A_47 = vector.shape_cast %swap3A_46 : vector<16xi32> to vector<16xi32>
    %swap3A_48 = vector.shape_cast %broadcast_in_dim3A_44 : vector<16xi32> to vector<16xi32>
    tpu.vector_store %arg7[%swap3A_45], %swap3A_48 {strides = array<i32>} : memref<640xi32, #tpu.memory_space<vmem>>, vector<16xi32>,
    %broadcast_in_dim3A_49 = arith.constant -1 : i32
    %broadcast_in_dim3A_50 = vector.broadcast %broadcast_in_dim3A_49 : i32 to vector<16xi32>
    %swap3A_51 = arith.constant 112 : index
    %swap3A_52 = tpu.vector_load %arg7[%swap3A_51] {strides = array<i32>} : memref<640xi32, #tpu.memory_space<vmem>>, vector<16xi32>,
    %swap3A_53 = vector.shape_cast %swap3A_52 : vector<16xi32> to vector<16xi32>
    %swap3A_54 = vector.shape_cast %broadcast_in_dim3A_50 : vector<16xi32> to vector<16xi32>
    tpu.vector_store %arg7[%swap3A_51], %swap3A_54 {strides = array<i32>} : memref<640xi32, #tpu.memory_space<vmem>>, vector<16xi32>,
    %broadcast_in_dim3A_55 = arith.constant -1 : i32
    %broadcast_in_dim3A_56 = vector.broadcast %broadcast_in_dim3A_55 : i32 to vector<16xi32>
    %swap3A_57 = arith.constant 128 : index
    %swap3A_58 = tpu.vector_load %arg7[%swap3A_57] {strides = array<i32>} : memref<640xi32, #tpu.memory_space<vmem>>, vector<16xi32>,
    %swap3A_59 = vector.shape_cast %swap3A_58 : vector<16xi32> to vector<16xi32>
    %swap3A_60 = vector.shape_cast %broadcast_in_dim3A_56 : vector<16xi32> to vector<16xi32>
    tpu.vector_store %arg7[%swap3A_57], %swap3A_60 {strides = array<i32>} : memref<640xi32, #tpu.memory_space<vmem>>, vector<16xi32>,
    %broadcast_in_dim3A_61 = arith.constant -1 : i32
    %broadcast_in_dim3A_62 = vector.broadcast %broadcast_in_dim3A_61 : i32 to vector<16xi32>
    %swap3A_63 = arith.constant 144 : index
    %swap3A_64 = tpu.vector_load %arg7[%swap3A_63] {strides = array<i32>} : memref<640xi32, #tpu.memory_space<vmem>>, vector<16xi32>,
    %swap3A_65 = vector.shape_cast %swap3A_64 : vector<16xi32> to vector<16xi32>
    %swap3A_66 = vector.shape_cast %broadcast_in_dim3A_62 : vector<16xi32> to vector<16xi32>
    tpu.vector_store %arg7[%swap3A_63], %swap3A_66 {strides = array<i32>} : memref<640xi32, #tpu.memory_space<vmem>>, vector<16xi32>,
    %broadcast_in_dim3A_67 = arith.constant -1 : i32
    %broadcast_in_dim3A_68 = vector.broadcast %broadcast_in_dim3A_67 : i32 to vector<16xi32>
    %swap3A_69 = arith.constant 160 : index
    %swap3A_70 = tpu.vector_load %arg7[%swap3A_69] {strides = array<i32>} : memref<640xi32, #tpu.memory_space<vmem>>, vector<16xi32>,
    %swap3A_71 = vector.shape_cast %swap3A_70 : vector<16xi32> to vector<16xi32>
    %swap3A_72 = vector.shape_cast %broadcast_in_dim3A_68 : vector<16xi32> to vector<16xi32>
    tpu.vector_store %arg7[%swap3A_69], %swap3A_72 {strides = array<i32>} : memref<640xi32, #tpu.memory_space<vmem>>, vector<16xi32>,
    %broadcast_in_dim3A_73 = arith.constant -1 : i32
    %broadcast_in_dim3A_74 = vector.broadcast %broadcast_in_dim3A_73 : i32 to vector<16xi32>
    %swap3A_75 = arith.constant 176 : index
    %swap3A_76 = tpu.vector_load %arg7[%swap3A_75] {strides = array<i32>} : memref<640xi32, #tpu.memory_space<vmem>>, vector<16xi32>,
    %swap3A_77 = vector.shape_cast %swap3A_76 : vector<16xi32> to vector<16xi32>
    %swap3A_78 = vector.shape_cast %broadcast_in_dim3A_74 : vector<16xi32> to vector<16xi32>
    tpu.vector_store %arg7[%swap3A_75], %swap3A_78 {strides = array<i32>} : memref<640xi32, #tpu.memory_space<vmem>>, vector<16xi32>,
    %broadcast_in_dim3A_79 = arith.constant -1 : i32
    %broadcast_in_dim3A_80 = vector.broadcast %broadcast_in_dim3A_79 : i32 to vector<16xi32>
    %swap3A_81 = arith.constant 192 : index
    %swap3A_82 = tpu.vector_load %arg7[%swap3A_81] {strides = array<i32>} : memref<640xi32, #tpu.memory_space<vmem>>, vector<16xi32>,
    %swap3A_83 = vector.shape_cast %swap3A_82 : vector<16xi32> to vector<16xi32>
    %swap3A_84 = vector.shape_cast %broadcast_in_dim3A_80 : vector<16xi32> to vector<16xi32>
    tpu.vector_store %arg7[%swap3A_81], %swap3A_84 {strides = array<i32>} : memref<640xi32, #tpu.memory_space<vmem>>, vector<16xi32>,
    %broadcast_in_dim3A_85 = arith.constant -1 : i32
    %broadcast_in_dim3A_86 = vector.broadcast %broadcast_in_dim3A_85 : i32 to vector<16xi32>
    %swap3A_87 = arith.constant 208 : index
    %swap3A_88 = tpu.vector_load %arg7[%swap3A_87] {strides = array<i32>} : memref<640xi32, #tpu.memory_space<vmem>>, vector<16xi32>,
    %swap3A_89 = vector.shape_cast %swap3A_88 : vector<16xi32> to vector<16xi32>
    %swap3A_90 = vector.shape_cast %broadcast_in_dim3A_86 : vector<16xi32> to vector<16xi32>
    tpu.vector_store %arg7[%swap3A_87], %swap3A_90 {strides = array<i32>} : memref<640xi32, #tpu.memory_space<vmem>>, vector<16xi32>,
    %broadcast_in_dim3A_91 = arith.constant -1 : i32
    %broadcast_in_dim3A_92 = vector.broadcast %broadcast_in_dim3A_91 : i32 to vector<16xi32>
    %swap3A_93 = arith.constant 224 : index
    %swap3A_94 = tpu.vector_load %arg7[%swap3A_93] {strides = array<i32>} : memref<640xi32, #tpu.memory_space<vmem>>, vector<16xi32>,
    %swap3A_95 = vector.shape_cast %swap3A_94 : vector<16xi32> to vector<16xi32>
    %swap3A_96 = vector.shape_cast %broadcast_in_dim3A_92 : vector<16xi32> to vector<16xi32>
    tpu.vector_store %arg7[%swap3A_93], %swap3A_96 {strides = array<i32>} : memref<640xi32, #tpu.memory_space<vmem>>, vector<16xi32>,
    %broadcast_in_dim3A_97 = arith.constant -1 : i32
    %broadcast_in_dim3A_98 = vector.broadcast %broadcast_in_dim3A_97 : i32 to vector<16xi32>
    %swap3A_99 = arith.constant 240 : index
    %swap3A_100 = tpu.vector_load %arg7[%swap3A_99] {strides = array<i32>} : memref<640xi32, #tpu.memory_space<vmem>>, vector<16xi32>,
    %swap3A_101 = vector.shape_cast %swap3A_100 : vector<16xi32> to vector<16xi32>
    %swap3A_102 = vector.shape_cast %broadcast_in_dim3A_98 : vector<16xi32> to vector<16xi32>
    tpu.vector_store %arg7[%swap3A_99], %swap3A_102 {strides = array<i32>} : memref<640xi32, #tpu.memory_space<vmem>>, vector<16xi32>,
    %broadcast_in_dim3A_103 = arith.constant -1 : i32
    %broadcast_in_dim3A_104 = vector.broadcast %broadcast_in_dim3A_103 : i32 to vector<16xi32>
    %swap3A_105 = arith.constant 256 : index
    %swap3A_106 = tpu.vector_load %arg7[%swap3A_105] {strides = array<i32>} : memref<640xi32, #tpu.memory_space<vmem>>, vector<16xi32>,
    %swap3A_107 = vector.shape_cast %swap3A_106 : vector<16xi32> to vector<16xi32>
    %swap3A_108 = vector.shape_cast %broadcast_in_dim3A_104 : vector<16xi32> to vector<16xi32>
    tpu.vector_store %arg7[%swap3A_105], %swap3A_108 {strides = array<i32>} : memref<640xi32, #tpu.memory_space<vmem>>, vector<16xi32>,
    %broadcast_in_dim3A_109 = arith.constant -1 : i32
    %broadcast_in_dim3A_110 = vector.broadcast %broadcast_in_dim3A_109 : i32 to vector<16xi32>
    %swap3A_111 = arith.constant 272 : index
    %swap3A_112 = tpu.vector_load %arg7[%swap3A_111] {strides = array<i32>} : memref<640xi32, #tpu.memory_space<vmem>>, vector<16xi32>,
    %swap3A_113 = vector.shape_cast %swap3A_112 : vector<16xi32> to vector<16xi32>
    %swap3A_114 = vector.shape_cast %broadcast_in_dim3A_110 : vector<16xi32> to vector<16xi32>
    tpu.vector_store %arg7[%swap3A_111], %swap3A_114 {strides = array<i32>} : memref<640xi32, #tpu.memory_space<vmem>>, vector<16xi32>,
    %broadcast_in_dim3A_115 = arith.constant -1 : i32
    %broadcast_in_dim3A_116 = vector.broadcast %broadcast_in_dim3A_115 : i32 to vector<16xi32>
    %swap3A_117 = arith.constant 288 : index
    %swap3A_118 = tpu.vector_load %arg7[%swap3A_117] {strides = array<i32>} : memref<640xi32, #tpu.memory_space<vmem>>, vector<16xi32>,
    %swap3A_119 = vector.shape_cast %swap3A_118 : vector<16xi32> to vector<16xi32>
    %swap3A_120 = vector.shape_cast %broadcast_in_dim3A_116 : vector<16xi32> to vector<16xi32>
    tpu.vector_store %arg7[%swap3A_117], %swap3A_120 {strides = array<i32>} : memref<640xi32, #tpu.memory_space<vmem>>, vector<16xi32>,
    %broadcast_in_dim3A_121 = arith.constant -1 : i32
    %broadcast_in_dim3A_122 = vector.broadcast %broadcast_in_dim3A_121 : i32 to vector<16xi32>
    %swap3A_123 = arith.constant 304 : index
    %swap3A_124 = tpu.vector_load %arg7[%swap3A_123] {strides = array<i32>} : memref<640xi32, #tpu.memory_space<vmem>>, vector<16xi32>,
    %swap3A_125 = vector.shape_cast %swap3A_124 : vector<16xi32> to vector<16xi32>
    %swap3A_126 = vector.shape_cast %broadcast_in_dim3A_122 : vector<16xi32> to vector<16xi32>
    tpu.vector_store %arg7[%swap3A_123], %swap3A_126 {strides = array<i32>} : memref<640xi32, #tpu.memory_space<vmem>>, vector<16xi32>,
    %broadcast_in_dim3A_127 = arith.constant -1 : i32
    %broadcast_in_dim3A_128 = vector.broadcast %broadcast_in_dim3A_127 : i32 to vector<16xi32>
    %swap3A_129 = arith.constant 320 : index
    %swap3A_130 = tpu.vector_load %arg7[%swap3A_129] {strides = array<i32>} : memref<640xi32, #tpu.memory_space<vmem>>, vector<16xi32>,
    %swap3A_131 = vector.shape_cast %swap3A_130 : vector<16xi32> to vector<16xi32>
    %swap3A_132 = vector.shape_cast %broadcast_in_dim3A_128 : vector<16xi32> to vector<16xi32>
    tpu.vector_store %arg7[%swap3A_129], %swap3A_132 {strides = array<i32>} : memref<640xi32, #tpu.memory_space<vmem>>, vector<16xi32>,
    %broadcast_in_dim3A_133 = arith.constant -1 : i32
    %broadcast_in_dim3A_134 = vector.broadcast %broadcast_in_dim3A_133 : i32 to vector<16xi32>
    %swap3A_135 = arith.constant 336 : index
    %swap3A_136 = tpu.vector_load %arg7[%swap3A_135] {strides = array<i32>} : memref<640xi32, #tpu.memory_space<vmem>>, vector<16xi32>,
    %swap3A_137 = vector.shape_cast %swap3A_136 : vector<16xi32> to vector<16xi32>
    %swap3A_138 = vector.shape_cast %broadcast_in_dim3A_134 : vector<16xi32> to vector<16xi32>
    tpu.vector_store %arg7[%swap3A_135], %swap3A_138 {strides = array<i32>} : memref<640xi32, #tpu.memory_space<vmem>>, vector<16xi32>,
    %broadcast_in_dim3A_139 = arith.constant -1 : i32
    %broadcast_in_dim3A_140 = vector.broadcast %broadcast_in_dim3A_139 : i32 to vector<16xi32>
    %swap3A_141 = arith.constant 352 : index
    %swap3A_142 = tpu.vector_load %arg7[%swap3A_141] {strides = array<i32>} : memref<640xi32, #tpu.memory_space<vmem>>, vector<16xi32>,
    %swap3A_143 = vector.shape_cast %swap3A_142 : vector<16xi32> to vector<16xi32>
    %swap3A_144 = vector.shape_cast %broadcast_in_dim3A_140 : vector<16xi32> to vector<16xi32>
    tpu.vector_store %arg7[%swap3A_141], %swap3A_144 {strides = array<i32>} : memref<640xi32, #tpu.memory_space<vmem>>, vector<16xi32>,
    %broadcast_in_dim3A_145 = arith.constant -1 : i32
    %broadcast_in_dim3A_146 = vector.broadcast %broadcast_in_dim3A_145 : i32 to vector<16xi32>
    %swap3A_147 = arith.constant 368 : index
    %swap3A_148 = tpu.vector_load %arg7[%swap3A_147] {strides = array<i32>} : memref<640xi32, #tpu.memory_space<vmem>>, vector<16xi32>,
    %swap3A_149 = vector.shape_cast %swap3A_148 : vector<16xi32> to vector<16xi32>
    %swap3A_150 = vector.shape_cast %broadcast_in_dim3A_146 : vector<16xi32> to vector<16xi32>
    tpu.vector_store %arg7[%swap3A_147], %swap3A_150 {strides = array<i32>} : memref<640xi32, #tpu.memory_space<vmem>>, vector<16xi32>,
    %broadcast_in_dim3A_151 = arith.constant -1 : i32
    %broadcast_in_dim3A_152 = vector.broadcast %broadcast_in_dim3A_151 : i32 to vector<16xi32>
    %swap3A_153 = arith.constant 384 : index
    %swap3A_154 = tpu.vector_load %arg7[%swap3A_153] {strides = array<i32>} : memref<640xi32, #tpu.memory_space<vmem>>, vector<16xi32>,
    %swap3A_155 = vector.shape_cast %swap3A_154 : vector<16xi32> to vector<16xi32>
    %swap3A_156 = vector.shape_cast %broadcast_in_dim3A_152 : vector<16xi32> to vector<16xi32>
    tpu.vector_store %arg7[%swap3A_153], %swap3A_156 {strides = array<i32>} : memref<640xi32, #tpu.memory_space<vmem>>, vector<16xi32>,
    %broadcast_in_dim3A_157 = arith.constant -1 : i32
    %broadcast_in_dim3A_158 = vector.broadcast %broadcast_in_dim3A_157 : i32 to vector<16xi32>
    %swap3A_159 = arith.constant 400 : index
    %swap3A_160 = tpu.vector_load %arg7[%swap3A_159] {strides = array<i32>} : memref<640xi32, #tpu.memory_space<vmem>>, vector<16xi32>,
    %swap3A_161 = vector.shape_cast %swap3A_160 : vector<16xi32> to vector<16xi32>
    %swap3A_162 = vector.shape_cast %broadcast_in_dim3A_158 : vector<16xi32> to vector<16xi32>
    tpu.vector_store %arg7[%swap3A_159], %swap3A_162 {strides = array<i32>} : memref<640xi32, #tpu.memory_space<vmem>>, vector<16xi32>,
    %broadcast_in_dim3A_163 = arith.constant -1 : i32
    %broadcast_in_dim3A_164 = vector.broadcast %broadcast_in_dim3A_163 : i32 to vector<16xi32>
    %swap3A_165 = arith.constant 416 : index
    %swap3A_166 = tpu.vector_load %arg7[%swap3A_165] {strides = array<i32>} : memref<640xi32, #tpu.memory_space<vmem>>, vector<16xi32>,
    %swap3A_167 = vector.shape_cast %swap3A_166 : vector<16xi32> to vector<16xi32>
    %swap3A_168 = vector.shape_cast %broadcast_in_dim3A_164 : vector<16xi32> to vector<16xi32>
    tpu.vector_store %arg7[%swap3A_165], %swap3A_168 {strides = array<i32>} : memref<640xi32, #tpu.memory_space<vmem>>, vector<16xi32>,
    %broadcast_in_dim3A_169 = arith.constant -1 : i32
    %broadcast_in_dim3A_170 = vector.broadcast %broadcast_in_dim3A_169 : i32 to vector<16xi32>
    %swap3A_171 = arith.constant 432 : index
    %swap3A_172 = tpu.vector_load %arg7[%swap3A_171] {strides = array<i32>} : memref<640xi32, #tpu.memory_space<vmem>>, vector<16xi32>,
    %swap3A_173 = vector.shape_cast %swap3A_172 : vector<16xi32> to vector<16xi32>
    %swap3A_174 = vector.shape_cast %broadcast_in_dim3A_170 : vector<16xi32> to vector<16xi32>
    tpu.vector_store %arg7[%swap3A_171], %swap3A_174 {strides = array<i32>} : memref<640xi32, #tpu.memory_space<vmem>>, vector<16xi32>,
    %broadcast_in_dim3A_175 = arith.constant -1 : i32
    %broadcast_in_dim3A_176 = vector.broadcast %broadcast_in_dim3A_175 : i32 to vector<16xi32>
    %swap3A_177 = arith.constant 448 : index
    %swap3A_178 = tpu.vector_load %arg7[%swap3A_177] {strides = array<i32>} : memref<640xi32, #tpu.memory_space<vmem>>, vector<16xi32>,
    %swap3A_179 = vector.shape_cast %swap3A_178 : vector<16xi32> to vector<16xi32>
    %swap3A_180 = vector.shape_cast %broadcast_in_dim3A_176 : vector<16xi32> to vector<16xi32>
    tpu.vector_store %arg7[%swap3A_177], %swap3A_180 {strides = array<i32>} : memref<640xi32, #tpu.memory_space<vmem>>, vector<16xi32>,
    %broadcast_in_dim3A_181 = arith.constant -1 : i32
    %broadcast_in_dim3A_182 = vector.broadcast %broadcast_in_dim3A_181 : i32 to vector<16xi32>
    %swap3A_183 = arith.constant 464 : index
    %swap3A_184 = tpu.vector_load %arg7[%swap3A_183] {strides = array<i32>} : memref<640xi32, #tpu.memory_space<vmem>>, vector<16xi32>,
    %swap3A_185 = vector.shape_cast %swap3A_184 : vector<16xi32> to vector<16xi32>
    %swap3A_186 = vector.shape_cast %broadcast_in_dim3A_182 : vector<16xi32> to vector<16xi32>
    tpu.vector_store %arg7[%swap3A_183], %swap3A_186 {strides = array<i32>} : memref<640xi32, #tpu.memory_space<vmem>>, vector<16xi32>,
    %broadcast_in_dim3A_187 = arith.constant -1 : i32
    %broadcast_in_dim3A_188 = vector.broadcast %broadcast_in_dim3A_187 : i32 to vector<16xi32>
    %swap3A_189 = arith.constant 480 : index
    %swap3A_190 = tpu.vector_load %arg7[%swap3A_189] {strides = array<i32>} : memref<640xi32, #tpu.memory_space<vmem>>, vector<16xi32>,
    %swap3A_191 = vector.shape_cast %swap3A_190 : vector<16xi32> to vector<16xi32>
    %swap3A_192 = vector.shape_cast %broadcast_in_dim3A_188 : vector<16xi32> to vector<16xi32>
    tpu.vector_store %arg7[%swap3A_189], %swap3A_192 {strides = array<i32>} : memref<640xi32, #tpu.memory_space<vmem>>, vector<16xi32>,
    %broadcast_in_dim3A_193 = arith.constant -1 : i32
    %broadcast_in_dim3A_194 = vector.broadcast %broadcast_in_dim3A_193 : i32 to vector<16xi32>
    %swap3A_195 = arith.constant 496 : index
    %swap3A_196 = tpu.vector_load %arg7[%swap3A_195] {strides = array<i32>} : memref<640xi32, #tpu.memory_space<vmem>>, vector<16xi32>,
    %swap3A_197 = vector.shape_cast %swap3A_196 : vector<16xi32> to vector<16xi32>
    %swap3A_198 = vector.shape_cast %broadcast_in_dim3A_194 : vector<16xi32> to vector<16xi32>
    tpu.vector_store %arg7[%swap3A_195], %swap3A_198 {strides = array<i32>} : memref<640xi32, #tpu.memory_space<vmem>>, vector<16xi32>,
    %broadcast_in_dim3A_199 = arith.constant -1 : i32
    %broadcast_in_dim3A_200 = vector.broadcast %broadcast_in_dim3A_199 : i32 to vector<16xi32>
    %swap3A_201 = arith.constant 512 : index
    %swap3A_202 = tpu.vector_load %arg7[%swap3A_201] {strides = array<i32>} : memref<640xi32, #tpu.memory_space<vmem>>, vector<16xi32>,
    %swap3A_203 = vector.shape_cast %swap3A_202 : vector<16xi32> to vector<16xi32>
    %swap3A_204 = vector.shape_cast %broadcast_in_dim3A_200 : vector<16xi32> to vector<16xi32>
    tpu.vector_store %arg7[%swap3A_201], %swap3A_204 {strides = array<i32>} : memref<640xi32, #tpu.memory_space<vmem>>, vector<16xi32>,
    %broadcast_in_dim3A_205 = arith.constant -1 : i32
    %broadcast_in_dim3A_206 = vector.broadcast %broadcast_in_dim3A_205 : i32 to vector<16xi32>
    %swap3A_207 = arith.constant 528 : index
    %swap3A_208 = tpu.vector_load %arg7[%swap3A_207] {strides = array<i32>} : memref<640xi32, #tpu.memory_space<vmem>>, vector<16xi32>,
    %swap3A_209 = vector.shape_cast %swap3A_208 : vector<16xi32> to vector<16xi32>
    %swap3A_210 = vector.shape_cast %broadcast_in_dim3A_206 : vector<16xi32> to vector<16xi32>
    tpu.vector_store %arg7[%swap3A_207], %swap3A_210 {strides = array<i32>} : memref<640xi32, #tpu.memory_space<vmem>>, vector<16xi32>,
    %broadcast_in_dim3A_211 = arith.constant -1 : i32
    %broadcast_in_dim3A_212 = vector.broadcast %broadcast_in_dim3A_211 : i32 to vector<16xi32>
    %swap3A_213 = arith.constant 544 : index
    %swap3A_214 = tpu.vector_load %arg7[%swap3A_213] {strides = array<i32>} : memref<640xi32, #tpu.memory_space<vmem>>, vector<16xi32>,
    %swap3A_215 = vector.shape_cast %swap3A_214 : vector<16xi32> to vector<16xi32>
    %swap3A_216 = vector.shape_cast %broadcast_in_dim3A_212 : vector<16xi32> to vector<16xi32>
    tpu.vector_store %arg7[%swap3A_213], %swap3A_216 {strides = array<i32>} : memref<640xi32, #tpu.memory_space<vmem>>, vector<16xi32>,
    %broadcast_in_dim3A_217 = arith.constant -1 : i32
    %broadcast_in_dim3A_218 = vector.broadcast %broadcast_in_dim3A_217 : i32 to vector<16xi32>
    %swap3A_219 = arith.constant 560 : index
    %swap3A_220 = tpu.vector_load %arg7[%swap3A_219] {strides = array<i32>} : memref<640xi32, #tpu.memory_space<vmem>>, vector<16xi32>,
    %swap3A_221 = vector.shape_cast %swap3A_220 : vector<16xi32> to vector<16xi32>
    %swap3A_222 = vector.shape_cast %broadcast_in_dim3A_218 : vector<16xi32> to vector<16xi32>
    tpu.vector_store %arg7[%swap3A_219], %swap3A_222 {strides = array<i32>} : memref<640xi32, #tpu.memory_space<vmem>>, vector<16xi32>,
    %broadcast_in_dim3A_223 = arith.constant -1 : i32
    %broadcast_in_dim3A_224 = vector.broadcast %broadcast_in_dim3A_223 : i32 to vector<16xi32>
    %swap3A_225 = arith.constant 576 : index
    %swap3A_226 = tpu.vector_load %arg7[%swap3A_225] {strides = array<i32>} : memref<640xi32, #tpu.memory_space<vmem>>, vector<16xi32>,
    %swap3A_227 = vector.shape_cast %swap3A_226 : vector<16xi32> to vector<16xi32>
    %swap3A_228 = vector.shape_cast %broadcast_in_dim3A_224 : vector<16xi32> to vector<16xi32>
    tpu.vector_store %arg7[%swap3A_225], %swap3A_228 {strides = array<i32>} : memref<640xi32, #tpu.memory_space<vmem>>, vector<16xi32>,
    %broadcast_in_dim3A_229 = arith.constant -1 : i32
    %broadcast_in_dim3A_230 = vector.broadcast %broadcast_in_dim3A_229 : i32 to vector<16xi32>
    %swap3A_231 = arith.constant 592 : index
    %swap3A_232 = tpu.vector_load %arg7[%swap3A_231] {strides = array<i32>} : memref<640xi32, #tpu.memory_space<vmem>>, vector<16xi32>,
    %swap3A_233 = vector.shape_cast %swap3A_232 : vector<16xi32> to vector<16xi32>
    %swap3A_234 = vector.shape_cast %broadcast_in_dim3A_230 : vector<16xi32> to vector<16xi32>
    tpu.vector_store %arg7[%swap3A_231], %swap3A_234 {strides = array<i32>} : memref<640xi32, #tpu.memory_space<vmem>>, vector<16xi32>,
    %broadcast_in_dim3A_235 = arith.constant -1 : i32
    %broadcast_in_dim3A_236 = vector.broadcast %broadcast_in_dim3A_235 : i32 to vector<16xi32>
    %swap3A_237 = arith.constant 608 : index
    %swap3A_238 = tpu.vector_load %arg7[%swap3A_237] {strides = array<i32>} : memref<640xi32, #tpu.memory_space<vmem>>, vector<16xi32>,
    %swap3A_239 = vector.shape_cast %swap3A_238 : vector<16xi32> to vector<16xi32>
    %swap3A_240 = vector.shape_cast %broadcast_in_dim3A_236 : vector<16xi32> to vector<16xi32>
    tpu.vector_store %arg7[%swap3A_237], %swap3A_240 {strides = array<i32>} : memref<640xi32, #tpu.memory_space<vmem>>, vector<16xi32>,
    %broadcast_in_dim3A_241 = arith.constant -1 : i32
    %broadcast_in_dim3A_242 = vector.broadcast %broadcast_in_dim3A_241 : i32 to vector<16xi32>
    %swap3A_243 = arith.constant 624 : index
    %swap3A_244 = tpu.vector_load %arg7[%swap3A_243] {strides = array<i32>} : memref<640xi32, #tpu.memory_space<vmem>>, vector<16xi32>,
    %swap3A_245 = vector.shape_cast %swap3A_244 : vector<16xi32> to vector<16xi32>
    %swap3A_246 = vector.shape_cast %broadcast_in_dim3A_242 : vector<16xi32> to vector<16xi32>
    tpu.vector_store %arg7[%swap3A_243], %swap3A_246 {strides = array<i32>} : memref<640xi32, #tpu.memory_space<vmem>>, vector<16xi32>,
    "tpu.region"() ({
      %run_scoped3A = tpu.sem_alloc : memref<!tpu.dma_semaphore, #tpu.memory_space<semaphore_mem>>
      %dma_start3A_264 = tpu.memref_slice %arg8[%multiple_of3A] : memref<10240xi32, #tpu.memory_space<vmem_shared>> -> memref<640xi32, #tpu.memory_space<vmem_shared>>
      %dma_start3A_265 = tpu.memref_slice %arg8[%multiple_of3A] : memref<10240xi32, #tpu.memory_space<vmem_shared>> -> memref<640xi32, #tpu.memory_space<vmem_shared>>
      tpu.enqueue_dma source(%arg7 : memref<640xi32, #tpu.memory_space<vmem>>) target(%dma_start3A_265 : memref<640xi32, #tpu.memory_space<vmem_shared>>) target_semaphore(%run_scoped3A : memref<!tpu.dma_semaphore, #tpu.memory_space<semaphore_mem>>)
      %dma_wait3A_266 = tpu.memref_slice %arg8[%multiple_of3A] : memref<10240xi32, #tpu.memory_space<vmem_shared>> -> memref<640xi32, #tpu.memory_space<vmem_shared>>
      %dma_wait3A_267 = tpu.memref_slice %arg8[%multiple_of3A] : memref<10240xi32, #tpu.memory_space<vmem_shared>> -> memref<640xi32, #tpu.memory_space<vmem_shared>>
      tpu.wait_dma2 semaphore(%run_scoped3A : memref<!tpu.dma_semaphore, #tpu.memory_space<semaphore_mem>>) src(%arg7 : memref<640xi32, #tpu.memory_space<vmem>>) dst(%dma_wait3A_267 : memref<640xi32, #tpu.memory_space<vmem_shared>>)
      tpu.yield
    }) : () -> ()
    %dma_wait3A = arith.constant 0 : i32
    %dma_wait3A_247 = tpu.memref_slice %arg2[%dma_wait3A, %multiple_of3A_5] : memref<2x320000xi32, #tpu.memory_space<hbm>> -> memref<2x10496xi32, #tpu.memory_space<hbm>>
    %dma_wait3A_248 = arith.constant 0 : i32
    %dma_wait3A_249 = tpu.memref_slice %arg2[%dma_wait3A_248, %multiple_of3A_5] : memref<2x320000xi32, #tpu.memory_space<hbm>> -> memref<2x10496xi32, #tpu.memory_space<hbm>>
    tpu.wait_dma2 semaphore(%arg9 : memref<!tpu.dma_semaphore, #tpu.memory_space<semaphore_mem>>) src(%dma_wait3A_249 : memref<2x10496xi32, #tpu.memory_space<hbm>>) dst(%arg4 : memref<2x10496xi32, #tpu.memory_space<vmem>>)
    %scan3A = arith.constant 0 : i32
    %scan3A_250 = arith.constant 0 : i32
    %scan3A_251 = arith.constant 82 : i32
    %scan3A_252 = arith.addi %scan3A_250, %scan3A_251 : i32
    %scan3A_253 = arith.constant 1 : i32
    scf.for %scan3A_264 = %scan3A_250 to %scan3A_252 step %scan3A_253  : i32 {
      %mul3A_265 = arith.constant 64 : i32
      %mul3A_266 = arith.muli %scan3A_264, %mul3A_265 : i32
      %add3A_267 = arith.constant 0 : i32
      %add3A_268 = arith.addi %mul3A_266, %add3A_267 : i32
      %get3A = arith.constant 1 : i32
      %get3A_269 = arith.index_cast %get3A : i32 to index
      %get3A_270 = arith.index_cast %add3A_268 : i32 to index
      %get3A_271 = tpu.vector_load %arg4[%get3A_269, %get3A_270] {strides = array<i32>} : memref<2x10496xi32, #tpu.memory_space<vmem>>, vector<1x16xi32>,
      %get3A_272 = vector.shape_cast %get3A_271 : vector<1x16xi32> to vector<16xi32>
      %swap3A_273 = arith.index_cast %add3A_268 : i32 to index
      %swap3A_274 = tpu.vector_load %arg5[%swap3A_273] {strides = array<i32>} : memref<5248xi32, #tpu.memory_space<vmem>>, vector<16xi32>,
      %swap3A_275 = vector.shape_cast %swap3A_274 : vector<16xi32> to vector<16xi32>
      %swap3A_276 = vector.shape_cast %get3A_272 : vector<16xi32> to vector<16xi32>
      tpu.vector_store %arg5[%swap3A_273], %swap3A_276 {strides = array<i32>} : memref<5248xi32, #tpu.memory_space<vmem>>, vector<16xi32>,
      %add3A_277 = arith.constant 5248 : i32
      %add3A_278 = arith.addi %add3A_277, %add3A_268 : i32
      %get3A_279 = arith.constant 1 : i32
      %get3A_280 = arith.index_cast %get3A_279 : i32 to index
      %get3A_281 = arith.index_cast %add3A_278 : i32 to index
      %get3A_282 = tpu.vector_load %arg4[%get3A_280, %get3A_281] {strides = array<i32>} : memref<2x10496xi32, #tpu.memory_space<vmem>>, vector<1x16xi32>,
      %get3A_283 = vector.shape_cast %get3A_282 : vector<1x16xi32> to vector<16xi32>
      %swap3A_284 = arith.index_cast %add3A_268 : i32 to index
      %swap3A_285 = tpu.vector_load %arg6[%swap3A_284] {strides = array<i32>} : memref<5248xi32, #tpu.memory_space<vmem>>, vector<16xi32>,
      %swap3A_286 = vector.shape_cast %swap3A_285 : vector<16xi32> to vector<16xi32>
      %swap3A_287 = vector.shape_cast %get3A_283 : vector<16xi32> to vector<16xi32>
      tpu.vector_store %arg6[%swap3A_284], %swap3A_287 {strides = array<i32>} : memref<5248xi32, #tpu.memory_space<vmem>>, vector<16xi32>,
      %mul3A_288 = arith.constant 64 : i32
      %mul3A_289 = arith.muli %scan3A_264, %mul3A_288 : i32
      %add3A_290 = arith.constant 16 : i32
      %add3A_291 = arith.addi %mul3A_289, %add3A_290 : i32
      %get3A_292 = arith.constant 1 : i32
      %get3A_293 = arith.index_cast %get3A_292 : i32 to index
      %get3A_294 = arith.index_cast %add3A_291 : i32 to index
      %get3A_295 = tpu.vector_load %arg4[%get3A_293, %get3A_294] {strides = array<i32>} : memref<2x10496xi32, #tpu.memory_space<vmem>>, vector<1x16xi32>,
      %get3A_296 = vector.shape_cast %get3A_295 : vector<1x16xi32> to vector<16xi32>
      %swap3A_297 = arith.index_cast %add3A_291 : i32 to index
      %swap3A_298 = tpu.vector_load %arg5[%swap3A_297] {strides = array<i32>} : memref<5248xi32, #tpu.memory_space<vmem>>, vector<16xi32>,
      %swap3A_299 = vector.shape_cast %swap3A_298 : vector<16xi32> to vector<16xi32>
      %swap3A_300 = vector.shape_cast %get3A_296 : vector<16xi32> to vector<16xi32>
      tpu.vector_store %arg5[%swap3A_297], %swap3A_300 {strides = array<i32>} : memref<5248xi32, #tpu.memory_space<vmem>>, vector<16xi32>,
      %add3A_301 = arith.constant 5248 : i32
      %add3A_302 = arith.addi %add3A_301, %add3A_291 : i32
      %get3A_303 = arith.constant 1 : i32
      %get3A_304 = arith.index_cast %get3A_303 : i32 to index
      %get3A_305 = arith.index_cast %add3A_302 : i32 to index
      %get3A_306 = tpu.vector_load %arg4[%get3A_304, %get3A_305] {strides = array<i32>} : memref<2x10496xi32, #tpu.memory_space<vmem>>, vector<1x16xi32>,
      %get3A_307 = vector.shape_cast %get3A_306 : vector<1x16xi32> to vector<16xi32>
      %swap3A_308 = arith.index_cast %add3A_291 : i32 to index
      %swap3A_309 = tpu.vector_load %arg6[%swap3A_308] {strides = array<i32>} : memref<5248xi32, #tpu.memory_space<vmem>>, vector<16xi32>,
      %swap3A_310 = vector.shape_cast %swap3A_309 : vector<16xi32> to vector<16xi32>
      %swap3A_311 = vector.shape_cast %get3A_307 : vector<16xi32> to vector<16xi32>
      tpu.vector_store %arg6[%swap3A_308], %swap3A_311 {strides = array<i32>} : memref<5248xi32, #tpu.memory_space<vmem>>, vector<16xi32>,
      %mul3A_312 = arith.constant 64 : i32
      %mul3A_313 = arith.muli %scan3A_264, %mul3A_312 : i32
      %add3A_314 = arith.constant 32 : i32
      %add3A_315 = arith.addi %mul3A_313, %add3A_314 : i32
      %get3A_316 = arith.constant 1 : i32
      %get3A_317 = arith.index_cast %get3A_316 : i32 to index
      %get3A_318 = arith.index_cast %add3A_315 : i32 to index
      %get3A_319 = tpu.vector_load %arg4[%get3A_317, %get3A_318] {strides = array<i32>} : memref<2x10496xi32, #tpu.memory_space<vmem>>, vector<1x16xi32>,
      %get3A_320 = vector.shape_cast %get3A_319 : vector<1x16xi32> to vector<16xi32>
      %swap3A_321 = arith.index_cast %add3A_315 : i32 to index
      %swap3A_322 = tpu.vector_load %arg5[%swap3A_321] {strides = array<i32>} : memref<5248xi32, #tpu.memory_space<vmem>>, vector<16xi32>,
      %swap3A_323 = vector.shape_cast %swap3A_322 : vector<16xi32> to vector<16xi32>
      %swap3A_324 = vector.shape_cast %get3A_320 : vector<16xi32> to vector<16xi32>
      tpu.vector_store %arg5[%swap3A_321], %swap3A_324 {strides = array<i32>} : memref<5248xi32, #tpu.memory_space<vmem>>, vector<16xi32>,
      %add3A_325 = arith.constant 5248 : i32
      %add3A_326 = arith.addi %add3A_325, %add3A_315 : i32
      %get3A_327 = arith.constant 1 : i32
      %get3A_328 = arith.index_cast %get3A_327 : i32 to index
      %get3A_329 = arith.index_cast %add3A_326 : i32 to index
      %get3A_330 = tpu.vector_load %arg4[%get3A_328, %get3A_329] {strides = array<i32>} : memref<2x10496xi32, #tpu.memory_space<vmem>>, vector<1x16xi32>,
      %get3A_331 = vector.shape_cast %get3A_330 : vector<1x16xi32> to vector<16xi32>
      %swap3A_332 = arith.index_cast %add3A_315 : i32 to index
      %swap3A_333 = tpu.vector_load %arg6[%swap3A_332] {strides = array<i32>} : memref<5248xi32, #tpu.memory_space<vmem>>, vector<16xi32>,
      %swap3A_334 = vector.shape_cast %swap3A_333 : vector<16xi32> to vector<16xi32>
      %swap3A_335 = vector.shape_cast %get3A_331 : vector<16xi32> to vector<16xi32>
      tpu.vector_store %arg6[%swap3A_332], %swap3A_335 {strides = array<i32>} : memref<5248xi32, #tpu.memory_space<vmem>>, vector<16xi32>,
      %mul3A_336 = arith.constant 64 : i32
      %mul3A_337 = arith.muli %scan3A_264, %mul3A_336 : i32
      %add3A_338 = arith.constant 48 : i32
      %add3A_339 = arith.addi %mul3A_337, %add3A_338 : i32
      %get3A_340 = arith.constant 1 : i32
      %get3A_341 = arith.index_cast %get3A_340 : i32 to index
      %get3A_342 = arith.index_cast %add3A_339 : i32 to index
      %get3A_343 = tpu.vector_load %arg4[%get3A_341, %get3A_342] {strides = array<i32>} : memref<2x10496xi32, #tpu.memory_space<vmem>>, vector<1x16xi32>,
      %get3A_344 = vector.shape_cast %get3A_343 : vector<1x16xi32> to vector<16xi32>
      %swap3A_345 = arith.index_cast %add3A_339 : i32 to index
      %swap3A_346 = tpu.vector_load %arg5[%swap3A_345] {strides = array<i32>} : memref<5248xi32, #tpu.memory_space<vmem>>, vector<16xi32>,
      %swap3A_347 = vector.shape_cast %swap3A_346 : vector<16xi32> to vector<16xi32>
      %swap3A_348 = vector.shape_cast %get3A_344 : vector<16xi32> to vector<16xi32>
      tpu.vector_store %arg5[%swap3A_345], %swap3A_348 {strides = array<i32>} : memref<5248xi32, #tpu.memory_space<vmem>>, vector<16xi32>,
      %add3A_349 = arith.constant 5248 : i32
      %add3A_350 = arith.addi %add3A_349, %add3A_339 : i32
      %get3A_351 = arith.constant 1 : i32
      %get3A_352 = arith.index_cast %get3A_351 : i32 to index
      %get3A_353 = arith.index_cast %add3A_350 : i32 to index
      %get3A_354 = tpu.vector_load %arg4[%get3A_352, %get3A_353] {strides = array<i32>} : memref<2x10496xi32, #tpu.memory_space<vmem>>, vector<1x16xi32>,
      %get3A_355 = vector.shape_cast %get3A_354 : vector<1x16xi32> to vector<16xi32>
      %swap3A_356 = arith.index_cast %add3A_339 : i32 to index
      %swap3A_357 = tpu.vector_load %arg6[%swap3A_356] {strides = array<i32>} : memref<5248xi32, #tpu.memory_space<vmem>>, vector<16xi32>,
      %swap3A_358 = vector.shape_cast %swap3A_357 : vector<16xi32> to vector<16xi32>
      %swap3A_359 = vector.shape_cast %get3A_355 : vector<16xi32> to vector<16xi32>
      tpu.vector_store %arg6[%swap3A_356], %swap3A_359 {strides = array<i32>} : memref<5248xi32, #tpu.memory_space<vmem>>, vector<16xi32>,
    }
    %scan3A_254 = arith.constant 82 : i32
    %barrier3A = arith.constant 0 : index
    tpu.barrier barrier_id(%barrier3A)
    %dma_start3A_255 = arith.constant 0 : i32
    %dma_start3A_256 = tpu.memref_slice %arg8[%dma_start3A_255] : memref<10240xi32, #tpu.memory_space<vmem_shared>> -> memref<10240xi32, #tpu.memory_space<vmem_shared>>
    tpu.enqueue_indirect_dma source(%arg5 : memref<5248xi32, #tpu.memory_space<vmem>>) target(%dma_start3A_256 : memref<10240xi32, #tpu.memory_space<vmem_shared>>) offsets(%arg5 : memref<5248xi32, #tpu.memory_space<vmem>>) semaphore(%arg9 : memref<!tpu.dma_semaphore, #tpu.memory_space<semaphore_mem>>)
    %dma_start3A_257 = arith.constant 0 : i32
    %dma_start3A_258 = tpu.memref_slice %arg8[%dma_start3A_257] : memref<10240xi32, #tpu.memory_space<vmem_shared>> -> memref<10240xi32, #tpu.memory_space<vmem_shared>>
    tpu.enqueue_indirect_dma source(%arg6 : memref<5248xi32, #tpu.memory_space<vmem>>) target(%dma_start3A_258 : memref<10240xi32, #tpu.memory_space<vmem_shared>>) offsets(%arg6 : memref<5248xi32, #tpu.memory_space<vmem>>) semaphore(%arg9 : memref<!tpu.dma_semaphore, #tpu.memory_space<semaphore_mem>>)
    %dma_wait3A_259 = arith.constant 0 : i32
    %dma_wait3A_260 = tpu.memref_slice %arg8[%dma_wait3A_259] : memref<10240xi32, #tpu.memory_space<vmem_shared>> -> memref<10240xi32, #tpu.memory_space<vmem_shared>>
    tpu.wait_indirect_dma semaphore(%arg9 : memref<!tpu.dma_semaphore, #tpu.memory_space<semaphore_mem>>) src(%arg5 : memref<5248xi32, #tpu.memory_space<vmem>>) dst(%dma_wait3A_260 : memref<10240xi32, #tpu.memory_space<vmem_shared>>)
    %dma_wait3A_261 = arith.constant 0 : i32
    %dma_wait3A_262 = tpu.memref_slice %arg8[%dma_wait3A_261] : memref<10240xi32, #tpu.memory_space<vmem_shared>> -> memref<10240xi32, #tpu.memory_space<vmem_shared>>
    tpu.wait_indirect_dma semaphore(%arg9 : memref<!tpu.dma_semaphore, #tpu.memory_space<semaphore_mem>>) src(%arg6 : memref<5248xi32, #tpu.memory_space<vmem>>) dst(%dma_wait3A_262 : memref<10240xi32, #tpu.memory_space<vmem_shared>>)
    %barrier3A_263 = arith.constant 0 : index
    tpu.barrier barrier_id(%barrier3A_263)
    "tpu.region"() ({
      %run_scoped3A = tpu.sem_alloc : memref<!tpu.dma_semaphore, #tpu.memory_space<semaphore_mem>>
      %dma_start3A_264 = tpu.memref_slice %arg3[%arg0, %multiple_of3A] : memref<2x10240xi32, #tpu.memory_space<hbm>> -> memref<1x640xi32, #tpu.memory_space<hbm>>
      %dma_start3A_265 = tpu.memref_squeeze %dma_start3A_264 : memref<1x640xi32, #tpu.memory_space<hbm>> -> memref<640xi32, #tpu.memory_space<hbm>>
      %dma_start3A_266 = tpu.memref_slice %arg8[%multiple_of3A] : memref<10240xi32, #tpu.memory_space<vmem_shared>> -> memref<640xi32, #tpu.memory_space<vmem_shared>>
      tpu.enqueue_dma source(%dma_start3A_266 : memref<640xi32, #tpu.memory_space<vmem_shared>>) target(%dma_start3A_265 : memref<640xi32, #tpu.memory_space<hbm>>) target_semaphore(%run_scoped3A : memref<!tpu.dma_semaphore, #tpu.memory_space<semaphore_mem>>)
      %dma_wait3A_267 = tpu.memref_slice %arg3[%arg0, %multiple_of3A] : memref<2x10240xi32, #tpu.memory_space<hbm>> -> memref<1x640xi32, #tpu.memory_space<hbm>>
      %dma_wait3A_268 = tpu.memref_squeeze %dma_wait3A_267 : memref<1x640xi32, #tpu.memory_space<hbm>> -> memref<640xi32, #tpu.memory_space<hbm>>
      %dma_wait3A_269 = tpu.memref_slice %arg8[%multiple_of3A] : memref<10240xi32, #tpu.memory_space<vmem_shared>> -> memref<640xi32, #tpu.memory_space<vmem_shared>>
      tpu.wait_dma2 semaphore(%run_scoped3A : memref<!tpu.dma_semaphore, #tpu.memory_space<semaphore_mem>>) src(%dma_wait3A_269 : memref<640xi32, #tpu.memory_space<vmem_shared>>) dst(%dma_wait3A_268 : memref<640xi32, #tpu.memory_space<hbm>>)
      tpu.yield
    }) : () -> ()
    return
  }
}

module attributes {stable_mosaic.version = 14 : i64} {
  func.func @mm_kernel(%arg0: i32, %arg1: memref<5000x128xf32, #tpu.memory_space<vmem>>, %arg2: memref<128x128xf32, #tpu.memory_space<vmem>>, %arg3: memref<2x10240xi32, #tpu.memory_space<vmem>>, %arg4: memref<5000x128xf32, #tpu.memory_space<vmem>>, %arg5: memref<10240x2xi32, #tpu.memory_space<vmem>>) attributes {dimension_semantics = [#tpu.dimension_semantics<arbitrary>], iteration_bounds = array<i64: 2>, scalar_prefetch = 0 : i64, scratch_operands = 1 : i64, tpu.core_type = #tpu.core_type<tc>, window_params = [{transform_indices = @transform_0, window_bounds = array<i64: 5000, 128>}, {pipeline_mode = #tpu.pipeline_mode<synchronous>, transform_indices = @transform_1, window_bounds = array<i64: 128, 128>}, {pipeline_mode = #tpu.pipeline_mode<synchronous>, transform_indices = @transform_2, window_bounds = array<i64: 2, 10240>}, {transform_indices = @transform_3, window_bounds = array<i64: 5000, 128>}]} {
    %eq3A = arith.constant 0 : i32
    %eq3A_0 = arith.cmpi eq, %arg0, %eq3A : i32
    %convert_element_type3A = arith.extui %eq3A_0 : i1 to i32
    %cond3A = arith.constant 0 : i32
    %cond3A_1 = arith.cmpi ne, %convert_element_type3A, %cond3A : i32
    scf.if %cond3A_1 {
      %get3A_21 = arith.constant 0 : index
      %get3A_22 = arith.constant 0 : index
      %get3A_23 = vector.load %arg3[%get3A_21, %get3A_22] : memref<2x10240xi32, #tpu.memory_space<vmem>>, vector<2x10240xi32>
      %transpose3A = tpu.transpose %get3A_23, [1, 0] : vector<2x10240xi32> -> vector<10240x2xi32>
      %swap3A_24 = arith.constant 0 : index
      %swap3A_25 = arith.constant 0 : index
      %swap3A_26 = vector.load %arg5[%swap3A_24, %swap3A_25] : memref<10240x2xi32, #tpu.memory_space<vmem>>, vector<10240x2xi32>
      tpu.vector_store %arg5[%swap3A_24, %swap3A_25], %transpose3A {strides = array<i32>} : memref<10240x2xi32, #tpu.memory_space<vmem>>, vector<10240x2xi32>,
    } else {
    }
    %get3A = arith.constant 0 : index
    %get3A_2 = arith.constant 0 : index
    %get3A_3 = vector.load %arg1[%get3A, %get3A_2] : memref<5000x128xf32, #tpu.memory_space<vmem>>, vector<5000x128xf32>
    %get3A_4 = arith.constant 0 : index
    %get3A_5 = arith.constant 0 : index
    %get3A_6 = vector.load %arg2[%get3A_4, %get3A_5] : memref<128x128xf32, #tpu.memory_space<vmem>>, vector<128x128xf32>
    %dot_general3A = arith.constant dense<0.000000e+00> : vector<5000x128xf32>
    %dot_general3A_7 = tpu.matmul %get3A_3, %get3A_6, %dot_general3A {dimension_numbers = #tpu.dot_dimension_numbers<[1], [1], [0], [0], [0, 0, 1, 0], [], []>, transpose_lhs_hint = false} : vector<5000x128xf32>, vector<128x128xf32>, vector<5000x128xf32> -> vector<5000x128xf32>
    %mul3A = arith.constant 5000 : i32
    %mul3A_8 = arith.muli %arg0, %mul3A : i32
    %get3A_9 = arith.index_cast %mul3A_8 : i32 to index
    %get3A_10 = arith.constant 0 : index
    %get3A_11 = vector.load %arg5[%get3A_9, %get3A_10] : memref<10240x2xi32, #tpu.memory_space<vmem>>, vector<5000x1xi32>
    %get3A_12 = arith.index_cast %mul3A_8 : i32 to index
    %get3A_13 = arith.constant 1 : index
    %get3A_14 = vector.load %arg5[%get3A_12, %get3A_13] : memref<10240x2xi32, #tpu.memory_space<vmem>>, vector<5000x1xi32>
    %max3A = arith.maxsi %get3A_11, %get3A_14 : vector<5000x1xi32>
    %ge3A = arith.constant 0 : i32
    %ge3A_15 = vector.broadcast %ge3A : i32 to vector<5000x1xi32>
    %ge3A_16 = arith.cmpi sge, %max3A, %ge3A_15 : vector<5000x1xi32>
    %jit3A = arith.constant 0.000000e+00 : f32
    %broadcast_in_dim3A = vector.shape_cast %ge3A_16 : vector<5000x1xi1> to vector<5000x1xi1>
    %broadcast_in_dim3A_17 = vector.broadcast %broadcast_in_dim3A : vector<5000x1xi1> to vector<5000x128xi1>
    %broadcast_in_dim3A_18 = vector.broadcast %jit3A : f32 to vector<5000x128xf32>
    %select_n3A = arith.select %broadcast_in_dim3A_17, %dot_general3A_7, %broadcast_in_dim3A_18 : vector<5000x128xi1>, vector<5000x128xf32>
    %swap3A = arith.constant 0 : index
    %swap3A_19 = arith.constant 0 : index
    %swap3A_20 = vector.load %arg4[%swap3A, %swap3A_19] : memref<5000x128xf32, #tpu.memory_space<vmem>>, vector<5000x128xf32>
    tpu.vector_store %arg4[%swap3A, %swap3A_19], %select_n3A {strides = array<i32>} : memref<5000x128xf32, #tpu.memory_space<vmem>>, vector<5000x128xf32>,
    return
  }
  func.func @transform_0(%arg0: i32) -> (i32, i32) {
    %c0_i32 = arith.constant 0 : i32
    %c0_i32_0 = arith.constant 0 : i32
    return %arg0, %c0_i32 : i32, i32
  }
  func.func @transform_1(%arg0: i32) -> (i32, i32) {
    %c0_i32 = arith.constant 0 : i32
    %c0_i32_0 = arith.constant 0 : i32
    %c0_i32_1 = arith.constant 0 : i32
    return %c0_i32, %c0_i32_0 : i32, i32
  }
  func.func @transform_2(%arg0: i32) -> (i32, i32) {
    %c0_i32 = arith.constant 0 : i32
    %c0_i32_0 = arith.constant 0 : i32
    %c0_i32_1 = arith.constant 0 : i32
    return %c0_i32, %c0_i32_0 : i32, i32
  }
  func.func @transform_3(%arg0: i32) -> (i32, i32) {
    %c0_i32 = arith.constant 0 : i32
    %c0_i32_0 = arith.constant 0 : i32
    return %arg0, %c0_i32 : i32, i32
  }
}

</mosaic_0001>

<sc_bundles>
// kernel: kernel.4.cloned.1.call-start
scs
__scs_entry_jumppad:
0x0: {  	(pc) =	sbr.rel $0x88, $3  }
0x1: {  	(tag) =	ssettag $0x0;
	lr =	simm.s32 $0x1  }
0x2: {  	[smem:$0x3F9E] =	sst lr;
	_ =	strace $0xD0000000  }
0x3: {  	_ = 	snop  }
0x4: {  	_ = 	snop  }
0x5: {  	_ = 	snop  }
0x6: {  	_ = 	snop  }
0x7: {  	_ = 	snop  }
__scs_overlays_trampoline_lowered:
0x8: {  	[smem:$0x3FAD] =	sst s0  }
0x9: {  	[smem:$0x3FAE] =	sst s1  }
0xa: {  	[smem:$0x3FAF] =	sst s2  }
0xb: {  	[smem:$0x3FB0] =	sst s3  }
0xc: {  	[smem:$0x3FB1] =	sst s4  }
0xd: {  	[smem:$0x3FB2] =	sst s5  }
0xe: {  	[smem:$0x3FB3] =	sst s6  }
0xf: {  	[smem:$0x3FB4] =	sst s7  }
0x10: {  	[smem:$0x3FB5] =	sst s8  }
0x11: {  	[smem:$0x3FB6] =	sst s9;
	s0 =	simm.s32 @!p0 $0x0  }
0x12: {  	s1 =	sld [smem:$0x3F9C];
	s0 =	simm.s32 @p0 $0x1  }
0x13: {  	[smem:$0x3FB7] =	sst s0;
	s0 =	simm.s32 @!p1 $0x0  }
0x14: {  	s2 =	sld [smem:$0x3F9B];
	s0 =	simm.s32 @p1 $0x1  }
0x15: {  	[smem:$0x3FB8] =	sst s0;
	s0 =	simm.s32 @!p2 $0x0  }
0x16: {  	s3 =	sld [smem:$0x3FDB];
	s0 =	simm.s32 @p2 $0x1  }
0x17: {  	s4 =	simm.s32 $0x1BF5;
	[smem:$0x3FBA] =	sst s0  }
0x18: {  	s0 =	sld [smem:$0x3F9D];
	_ =	swait.ge [sflag:s4], $0x0  }
0x19: {  	s7 =	sld [smem:$0x3F9E]  }
0x1a: {  	s8 =	sadd.s32 $0xFFFFE003, lr  }
0x1b: {  	s9 =	sadd.s32 $0xFFFFFEF7, lr;
	s5 =	simm.s32 $0xFFFFFFFF;
	p2 =	slt.u32 s8, $0xFFFFF086  }
0x1c: {  	p1 =	slt.u32 s9, $0xF7A;
	s5 =	simm.s32 @!p2 $0x0  }
0x1d: {  	s5 =	simm.s32 @p1 $0x1;
	p0 =	seq.s32 s7, s2  }
0x1e: {  	s7 =	smul.u32 @!p0 $0xF7A, s2;
	p2 =	seq.s32 @!p0 s5, $0x0  }
0x1f: {  	s9 =	smul.u32 $0xF7A, s1;
	s8 =	simm.s32 @!p0 $0x1BF5;
	p2 =	por !p2, p0  }
0x20: {  	[sflag:s8] =	ssyncset.s32 @!p0 $0xFFFFF086;
	s6 =	sadd.s32 @!p0 s3, s7;
	s7 =	simm.s32 @!p0 $0x108  }
0x21: {  	s3 =	sadd.s32 s3, s9;
	s6 =	sadd.s32 @!p0 $0x88, s6;
	s7 =	simm.s32 @p2 $0x1082  }
0x22: {  	[simem:s7], [sflag:s8] =	dma.local @!p0 [hbm:s6], $0xF7A  }
0x23: {  	s9 =	sor.u32 $0xD0000000, s2;
	s6 =	simm.s32 $0x108;
	_ =	swait.ge @!p0 [sflag:s8], $0x0  }
0x24: {  	s3 =	sadd.s32 $0x88, s3;
	s6 =	simm.s32 @!p1 $0x1082;
	[sflag:s4] =	ssyncset.s32 $0xFFFFF086  }
0x25: {  	[simem:s6], [sflag:s4] =	dma.local [hbm:s3], $0xF7A  }
0x26: {  	[smem:$0x3F9E] =	sst s1;
	(tag) =	ssettag s2;
	_ =	strace s9  }
0x27: {  	s1 =	sld [smem:$0x3FAE]  }
0x28: {  	s2 =	sld [smem:$0x3FAF]  }
0x29: {  	s4 =	sld [smem:$0x3FB1]  }
0x2a: {  	p0 =	seq.s32 s5, $0x0;
	s5 =	sld [smem:$0x3FB2]  }
0x2b: {  	s6 =	sld [smem:$0x3FB3]  }
0x2c: {  	s7 =	sld [smem:$0x3FB4]  }
0x2d: {  	s3 =	simm.s32 $0x108;
	s8 =	sld [smem:$0x3FB5]  }
0x2e: {  	s3 =	simm.s32 @!p0 $0x1082;
	s9 =	sld [smem:$0x3FB6]  }
0x2f: {  	lr =	sadd.s32 s0, s3;
	s0 =	sld [smem:$0x3FAD]  }
0x30: {  	s3 =	sld [smem:$0x3FB0]  }
0x31: {  	[smem:$0x3FB9] =	sst s10  }
0x32: {  	s10 =	sld [smem:$0x3FB7];
	_ =	sdelay $0x3  }
0x33: {  	p0 =	seq.s32 s10, $0x1;
	s10 =	sld [smem:$0x3FB9];
	_ =	sdelay $0x3  }
0x34: {  	[smem:$0x3FB9] =	sst s10  }
0x35: {  	s10 =	sld [smem:$0x3FB8];
	_ =	sdelay $0x3  }
0x36: {  	p1 =	seq.s32 s10, $0x1;
	s10 =	sld [smem:$0x3FB9];
	_ =	sdelay $0x3  }
0x37: {  	[smem:$0x3FB9] =	sst s10  }
0x38: {  	s10 =	sld [smem:$0x3FBA]  }
0x39: {  	_ = 	snop;
	(pc) =	sbr.ind lr, $3  }
0x3a: {  	_ = 	snop  }
0x3b: {  	_ = 	snop  }
0x3c: {  	p2 =	seq.s32 s10, $0x1;
	s10 =	sld [smem:$0x3FB9]  }
0x3d: {  	_ =	shalt  }
0x3e: {  	_ =	shalt  }
0x3f: {  	_ =	shalt  }
0x40: {  	_ =	shalt  }
0x41: {  	_ =	shalt  }
0x42: {  	_ =	shalt  }
0x43: {  	_ =	shalt  }
0x44: {  	_ =	shalt  }
0x45: {  	_ =	shalt  }
0x46: {  	_ =	shalt  }
0x47: {  	_ =	shalt  }
0x48: {  	_ =	shalt  }
0x49: {  	_ =	shalt  }
0x4a: {  	_ =	shalt  }
0x4b: {  	_ =	shalt  }
0x4c: {  	_ =	shalt  }
0x4d: {  	_ =	shalt  }
0x4e: {  	_ =	shalt  }
0x4f: {  	_ =	shalt  }
0x50: {  	_ =	shalt  }
0x51: {  	_ =	shalt  }
0x52: {  	_ =	shalt  }
0x53: {  	_ =	shalt  }
0x54: {  	_ =	shalt  }
0x55: {  	_ =	shalt  }
0x56: {  	_ =	shalt  }
0x57: {  	_ =	shalt  }
0x58: {  	_ =	shalt  }
0x59: {  	_ =	shalt  }
0x5a: {  	_ =	shalt  }
0x5b: {  	_ =	shalt  }
0x5c: {  	_ =	shalt  }
0x5d: {  	_ =	shalt  }
0x5e: {  	_ =	shalt  }
0x5f: {  	_ =	shalt  }
0x60: {  	_ =	shalt  }
0x61: {  	_ =	shalt  }
0x62: {  	_ =	shalt  }
0x63: {  	_ =	shalt  }
0x64: {  	_ =	shalt  }
0x65: {  	_ =	shalt  }
0x66: {  	_ =	shalt  }
0x67: {  	_ =	shalt  }
0x68: {  	_ =	shalt  }
0x69: {  	_ =	shalt  }
0x6a: {  	_ =	shalt  }
0x6b: {  	_ =	shalt  }
0x6c: {  	_ =	shalt  }
0x6d: {  	_ =	shalt  }
0x6e: {  	_ =	shalt  }
0x6f: {  	_ =	shalt  }
0x70: {  	_ =	shalt  }
0x71: {  	_ =	shalt  }
0x72: {  	_ =	shalt  }
0x73: {  	_ =	shalt  }
0x74: {  	_ =	shalt  }
0x75: {  	_ =	shalt  }
0x76: {  	_ =	shalt  }
0x77: {  	_ =	shalt  }
0x78: {  	_ =	shalt  }
0x79: {  	_ =	shalt  }
0x7a: {  	_ =	shalt  }
0x7b: {  	_ =	shalt  }
0x7c: {  	_ =	shalt  }
0x7d: {  	_ =	shalt  }
0x7e: {  	_ =	shalt  }
0x7f: {  	_ =	shalt  }
0x80: {  	_ =	shalt  }
0x81: {  	_ =	shalt  }
0x82: {  	_ =	shalt  }
0x83: {  	_ =	shalt  }
0x84: {  	_ =	shalt  }
0x85: {  	_ =	shalt  }
0x86: {  	_ =	shalt  }
0x87: {  	_ =	shalt  }
.Lfunc_end0:
.L_simem_size_0:
called_computation_lowered:
.L_overlay_start_0:
0x88: {  	s2 =	sld [smem:$0x3FD9]  }
0x89: {  	s3 =	sld [smem:$0x3FFE];
	_ =	sdelay $0x1  }
0x8a: {  	s1 =	srdreg.scid  }
0x8b: {  	s0 =	sand.u32 $0x1, s1  }
0x8c: {  	s18 =	sshll.u32 s0, $0xA;
	s2 =	sadd.s32 s3, s2  }
0x8d: {  	s2 =	sadd.s32 s2, s18  }
0x8e: {  	[smem:$0x3FC5] =	sst s2  }
0x8f: {  	_ = 	snop  }
0x90: {  	s2 =	sld [smem:$0x3FC8]  }
0x91: {  	s19 =	sld [smem:$0x3FD0];
	(tm) =	ssettm $0x1  }
0x92: {  	s4 =	sld [smem:$0x3FFB];
	_ =	sdelay $0x3  }
0x93: {  	_ =	strace s4  }
0x94: {  	s4 =	sld [smem:$0x3FFC];
	_ =	sdelay $0x3  }
0x95: {  	_ =	strace s4  }
0x96: {  	s4 =	sld [smem:$0x3FFD];
	_ =	sdelay $0x3  }
0x97: {  	_ =	strace s4  }
0x98: {  	_ =	strace $0x8FFFFFFF  }
0x99: {  	s20 =	sld [smem:$0x3FDB];
	_ =	sdelay $0x1  }
0x9a: {  	s5 =	simm.s32 $_scs_section_size  }
0x9b: {  	s6 =	simm.s32 $_size__tile_overlayer_lowered;
	s7 =	simm.s32 $_tile_overlayer_lowered  }
0x9c: {  	s23 =	simm.s32 $0x1BFF;
	s22 =	sshll.u32 s7, $0x1;
	s4 =	sadd.s32 s5, s20  }
0x9d: {  	s8 =	simm.s32 $0x0;
	s21 =	sshll.u32 s6, $0x1;
	s6 =	sadd.s32 s22, s4  }
0x9e: {  	[timem:s8], [sflag:s23] =	dma.local [hbm:s6], s21  }
0x9f: {  	_ =	swait.ge [sflag:s23], s21  }
0xa0: {  	s5 =	ssub.s32 $0x0, s21;
	[sflag:s23] =	ssyncset.done $0x0  }
0xa1: {  	[sflag:s23] =	ssyncadd.s32 s5;
	_ =	sdelay $0x1  }
0xa2: {  	s24 =	simm.s32 $0x1B8B  }
0xa3: {  	_ =	swait.ge [sflag:s24], $0x1  }
0xa4: {  	[sflag:s24] =	ssyncset.done $0x0  }
0xa5: {  	s25 =	simm.s32 $0x1B8E;
	[sflag:s24] =	ssyncadd.s32 $0xFFFFFFFF  }
0xa6: {  	s26 =	simm.s32 $execute0_lowered;
	[smem:$0x3FD2] =	sst s25  }
0xa7: {  	s5 =	sshll.u32 s26, $0x1;
	_ =	strace $0x80000046;
	[dreg:$0x1] =	wrdreg $0xFFFFFFFF  }
0xa8: {  	s28 =	simm.s32 $_size_execute0_lowered;
	s4 =	sadd.s32 s4, s5;
	[dreg:$0x0] =	wrdreg $0x0  }
0xa9: {  	s5 =	sshll.u32 s28, $0x1;
	[dreg:$0x2] =	wrdreg s4  }
0xaa: {  	[dreg:$0x3] =	wrdreg s5  }
0xab: {  	[dreg:$0x4] =	wrdreg $0xC0  }
0xac: {  	_ =	task [dreg:s8], $0x5FFFF  }
0xad: {  	[dreg:$0x1] =	wrdreg $0xFFFFFFFF  }
0xae: {  	[dreg:$0x0] =	wrdreg $0x60  }
0xaf: {  	[dreg:$0x2] =	wrdreg s2  }
0xb0: {  	[dreg:$0x3] =	wrdreg s19  }
0xb1: {  	[dreg:$0x4] =	wrdreg $0x7D800  }
0xb2: {  	[dreg:$0x5] =	wrdreg $0x9  }
0xb3: {  	_ =	task.clear_ibuf [dreg:s8], $0x6FFFF;
	_ =	strace $0x90000046  }
0xb4: {  	s29 =	simm.s32 $0x9;
	_ =	strace $0x80000048  }
0xb5: {  	_ =	swait.ge [sflag:s29], $0x1  }
0xb6: {  	[sflag:s29] =	ssyncadd.s32 $0xFFFFFFFF  }
0xb7: {  	_ =	strace $0x90000048  }
0xb8: {  	_ =	sfence  }
0xb9: {  	s30 =	sld [smem:$0x0];
	_ =	sdelay $0x2  }
0xba: {  	s31 =	sshll.u32 s1, $0xD;
	s1 =	sshrl.u32 s1, $0x2  }
0xbb: {  	s3 =	sand.u32 $0x4000, s31;
	s1 =	sadd.s32 s1, s30  }
0xbc: {  	s0 =	sor.u32 s3, s0;
	s1 =	sshll.u32 s1, $0x11  }
0xbd: {  	s0 =	sor.u32 s1, s0  }
0xbe: {  	s0 =	sadd.s32 $0x8F2B, s0  }
0xbf: {  	[sflag:s0] =	ssyncadd.remote.s32 $0x1  }
0xc0: {  	_ =	sfence.sel $0xFFFF  }
0xc1: {  	[dreg:$0x0] =	wrdreg $0xFFFFFFFF;
	(pc) =	sbr.abs _section_cstart, $3  }
0xc2: {  	[dreg:$0x1] =	wrdreg $0xFFFFFFFF  }
0xc3: {  	_ =	task.clear_ibuf [dreg:s8], $0x2FFFF;
	_ =	strace $0x9FFFFFFF  }
0xc4: {  	(tm) =	ssettm $0x7FFFFFFF  }
0xc5: {  	_ =	shalt  }
tec
execute0_lowered:
.L_overlay_start_1:
0x0: {  	(tag) =	ssettag $0x1  }
0x1: {  	s4 =	rddreg [dreg:$0x0]  }
0x2: {  	s1 =	srdreg.scid;
	s6 =	rddreg [dreg:$0x1]  }
0x3: {  	s0 =	stileid.u32;
	s2 =	rddreg [dreg:$0x2]  }
0x4: {  	s3 =	simm.s32 $0x0;
	s12 =	simm.s32 $0x5200;
	s13 =	simm.s32 $0x6680  }
0x5: {  	s14 =	simm.s32 $0x20;
	s15 =	simm.s32 $0x10;
	s16 =	simm.s32 $0x0  }
0x6: {  	s5 =	sand.u32 $0x1, s1;
	s1 =	rddreg [dreg:$0x3];
	s9 =	smul.u32 $0x500, s0  }
0x7: {  	s30 =	sshll.u32 s0, $0x1;
	[smem:$0x7FF] =	sst s3;
	s11 =	smul.u32 $0xA00, s0  }
0x8: {  	s7 =	sor.u32 s5, s30;
	s8 =	ssub.s32 $0x2, s5;
	s5 =	sshll.u32 s5, $0x7  }
0x9: {  	_ =	strace $0x80000047;
	s7 =	smul.u32 $0x9C0, s7;
	s10 =	sshrl.u32 s8, $0x1  }
0xa: {  	s5 =	sor.u32 s5, s9;
	s31 =	sshrl.u32 s11, $0x2;
	s11 =	simm.s32 $0x1480  }
0xb: {  	s8 =	ssub.s32 s8, s10;
	s9 =	sshrl.u32 s5, $0x3;
	s5 =	sadd.s32 s31, s2  }
0xc: {  	s10 =	simm.s32 $0x1;
	s4 =	sadd.s32 s4, s7;
	s6 =	sadd.s32 s6, s9  }
0xd: {  	v0 =	vimm.s32 $0xFFFFFFFF;
	s7 =	smax.u32 s8, $0x1;
	s8 =	simm.s32 $0x7B00;
	s9 =	simm.s32 $0x2  }
.LBB2_1:
0xe: {  	[tilespmem:s3], [sflag:$0x1] =	stream.linear.gather [hbm4b:s4+s3], $0x5200, $0x38;
	[tilespmem:$0x8000] =	vst v63  }
0xf: {  	[tilespmem:$0x7B00] =	vst v0  }
0x10: {  	[tilespmem:$0x7B10] =	vst v0  }
0x11: {  	[tilespmem:$0x7B20] =	vst v0  }
0x12: {  	[tilespmem:$0x7B30] =	vst v0  }
0x13: {  	[tilespmem:$0x7B40] =	vst v0  }
0x14: {  	[tilespmem:$0x7B50] =	vst v0  }
0x15: {  	[tilespmem:$0x7B60] =	vst v0  }
0x16: {  	[tilespmem:$0x7B70] =	vst v0  }
0x17: {  	[tilespmem:$0x7B80] =	vst v0  }
0x18: {  	[tilespmem:$0x7B90] =	vst v0  }
0x19: {  	[tilespmem:$0x7BA0] =	vst v0  }
0x1a: {  	[tilespmem:$0x7BB0] =	vst v0  }
0x1b: {  	[tilespmem:$0x7BC0] =	vst v0  }
0x1c: {  	[tilespmem:$0x7BD0] =	vst v0  }
0x1d: {  	[tilespmem:$0x7BE0] =	vst v0  }
0x1e: {  	[tilespmem:$0x7BF0] =	vst v0  }
0x1f: {  	[tilespmem:$0x7C00] =	vst v0  }
0x20: {  	[tilespmem:$0x7C10] =	vst v0  }
0x21: {  	[tilespmem:$0x7C20] =	vst v0  }
0x22: {  	[tilespmem:$0x7C30] =	vst v0  }
0x23: {  	[tilespmem:$0x7C40] =	vst v0  }
0x24: {  	[tilespmem:$0x7C50] =	vst v0  }
0x25: {  	[tilespmem:$0x7C60] =	vst v0  }
0x26: {  	[tilespmem:$0x7C70] =	vst v0  }
0x27: {  	[tilespmem:$0x7C80] =	vst v0  }
0x28: {  	[tilespmem:$0x7C90] =	vst v0  }
0x29: {  	[tilespmem:$0x7CA0] =	vst v0  }
0x2a: {  	[tilespmem:$0x7CB0] =	vst v0  }
0x2b: {  	[tilespmem:$0x7CC0] =	vst v0  }
0x2c: {  	[tilespmem:$0x7CD0] =	vst v0  }
0x2d: {  	[tilespmem:$0x7CE0] =	vst v0  }
0x2e: {  	[tilespmem:$0x7CF0] =	vst v0  }
0x2f: {  	[tilespmem:$0x7D00] =	vst v0  }
0x30: {  	[tilespmem:$0x7D10] =	vst v0  }
0x31: {  	[tilespmem:$0x7D20] =	vst v0  }
0x32: {  	[tilespmem:$0x7D30] =	vst v0  }
0x33: {  	[tilespmem:$0x7D40] =	vst v0  }
0x34: {  	[tilespmem:$0x7D50] =	vst v0  }
0x35: {  	[tilespmem:$0x7D60] =	vst v0  }
0x36: {  	[tilespmem:$0x7D70] =	vst v0  }
0x37: {  	[spmem:s5] =	stream.linear.scatter [tilespmem:s8], [sflag:$0x2], $0x280, $0x38;
	[tilespmem:$0x8000] =	vst v63  }
0x38: {  	_ =	swait.ge [sflag:s9], $0x280  }
0x39: {  	[sflag:s9] =	ssyncset.done $0x0  }
0x3a: {  	[sflag:s9] =	ssyncadd.s32 $0xFFFFFD80  }
0x3b: {  	s17 =	simm.s32 $0x0;
	_ =	swait.ge [sflag:s10], $0x5200  }
0x3c: {  	s18 =	sand.u32 $0x40, s3;
	s17 =	sand.u32 $0x3F00, s17;
	[sflag:s10] =	ssyncset.done $0x0  }
0x3d: {  	s19 =	sor.u32 s18, s17;
	[sflag:s10] =	ssyncadd.s32 $0xFFFFAE00  }
0x3e: {  	v1 =	vld [tilespmem:s19+$0x80];
	_ =	sdelay $0x3  }
0x3f: {  	s30 =	sand.u32 $0x3F00, s3  }
0x40: {  	s19 =	sor.u32 s18, s30;
	[tilespmem:s12+$0x0] =	vst v1  }
0x41: {  	v1 =	vld [tilespmem:s19+$0x2980];
	_ =	sdelay $0x3  }
0x42: {  	s31 =	sor.u32 $0x10, s18  }
0x43: {  	s20 =	sor.u32 s31, s17;
	[tilespmem:s13+$0x0] =	vst v1  }
0x44: {  	v1 =	vld [tilespmem:s20+$0x80];
	_ =	sdelay $0x2  }
0x45: {  	s21 =	sand.u32 $0x1F80, s3;
	s23 =	simm.s32 $0x1490;
	s22 =	simm.s32 $0x2920  }
0x46: {  	s22 =	sand.u32 $0x7F00, s22;
	s19 =	sor.u32 s21, s31;
	s20 =	sand.u32 $0x50, s23  }
0x47: {  	s20 =	sor.u32 s20, s22;
	[tilespmem:s19+$0x5200] =	vst v1  }
0x48: {  	v1 =	vld [tilespmem:s20+$0x80];
	_ =	sdelay $0x3  }
0x49: {  	s24 =	sor.u32 $0x20, s18  }
0x4a: {  	s25 =	sor.u32 s24, s17;
	[tilespmem:s19+$0x6680] =	vst v1  }
0x4b: {  	v1 =	vld [tilespmem:s25+$0x80];
	_ =	sdelay $0x2  }
0x4c: {  	s26 =	simm.s32 $0x14A0;
	s28 =	simm.s32 $0x2940  }
0x4d: {  	s22 =	sand.u32 $0x7F00, s28;
	s20 =	sor.u32 s21, s24;
	s19 =	sand.u32 $0x60, s26  }
0x4e: {  	s19 =	sor.u32 s19, s22;
	[tilespmem:s20+$0x5200] =	vst v1  }
0x4f: {  	v1 =	vld [tilespmem:s19+$0x80];
	_ =	sdelay $0x3  }
0x50: {  	s18 =	sor.u32 $0x30, s18  }
0x51: {  	s17 =	sor.u32 s18, s17;
	[tilespmem:s20+$0x6680] =	vst v1  }
0x52: {  	v1 =	vld [tilespmem:s17+$0x80];
	_ =	sdelay $0x2  }
0x53: {  	s29 =	simm.s32 $0x14B0;
	s30 =	simm.s32 $0x2960  }
0x54: {  	s22 =	sand.u32 $0x7F00, s30;
	s25 =	sor.u32 s21, s18;
	s19 =	sand.u32 $0x70, s29  }
0x55: {  	s19 =	sor.u32 s19, s22;
	[tilespmem:s25+$0x5200] =	vst v1  }
0x56: {  	v1 =	vld [tilespmem:s19+$0x80];
	_ =	sdelay $0x1  }
0x57: {  	s31 =	simm.s32 $0x80;
	s23 =	simm.s32 $0x200;
	s18 =	simm.s32 $0x40  }
0x58: {  	s24 =	simm.s32 $0x5200;
	s21 =	sand.u32 $0x40, s18;
	s22 =	simm.s32 $0x6680  }
0x59: {  	s20 =	simm.s32 $0x100;
	s17 =	simm.s32 $0x80;
	s19 =	sand.u32 $0x3F00, s31  }
.LBB2_2:
0x5a: {  	s26 =	sor.u32 s21, s19;
	[tilespmem:s25+$0x6680] =	vst v1;
	s24 =	sadd.s32 $0x40, s24;
	s22 =	sadd.s32 $0x40, s22  }
0x5b: {  	p0 =	sne.s32 s20, $0x2880;
	s25 =	smov.u32 s20;
	s20 =	sadd.s32 $0x80, s20;
	v1 =	vld [tilespmem:s26+$0x80]  }
0x5c: {  	_ =	sdelay $0x2  }
0x5d: {  	s26 =	sand.u32 $0x3F00, s17  }
0x5e: {  	s26 =	sor.u32 s21, s26;
	[tilespmem:s24+$0x0] =	vst v1  }
0x5f: {  	v1 =	vld [tilespmem:s26+$0x2980];
	_ =	sdelay $0x3  }
0x60: {  	s26 =	sor.u32 $0x10, s21  }
0x61: {  	s28 =	sor.u32 s26, s19;
	[tilespmem:s22+$0x0] =	vst v1  }
0x62: {  	v1 =	vld [tilespmem:s28+$0x80];
	_ =	sdelay $0x2  }
0x63: {  	s29 =	sadd.s32 $0x1490, s18;
	s30 =	sadd.s32 $0x2920, s17;
	s28 =	sand.u32 $0x1F80, s18  }
0x64: {  	s29 =	sand.u32 $0x50, s29;
	s30 =	sand.u32 $0x7F00, s30;
	s26 =	sor.u32 s28, s26  }
0x65: {  	s29 =	sor.u32 s29, s30;
	[tilespmem:s26+$0x5200] =	vst v1  }
0x66: {  	v1 =	vld [tilespmem:s29+$0x80];
	_ =	sdelay $0x3  }
0x67: {  	s29 =	sor.u32 $0x20, s21  }
0x68: {  	[tilespmem:s26+$0x6680] =	vst v1;
	s26 =	sor.u32 s29, s19  }
0x69: {  	v1 =	vld [tilespmem:s26+$0x80];
	_ =	sdelay $0x2  }
0x6a: {  	s30 =	sadd.s32 $0x2940, s17;
	s26 =	sadd.s32 $0x14A0, s18  }
0x6b: {  	s30 =	sand.u32 $0x7F00, s30;
	s29 =	sor.u32 s28, s29;
	s26 =	sand.u32 $0x60, s26  }
0x6c: {  	s26 =	sor.u32 s26, s30;
	[tilespmem:s29+$0x5200] =	vst v1  }
0x6d: {  	v1 =	vld [tilespmem:s26+$0x80];
	_ =	sdelay $0x3  }
0x6e: {  	s21 =	sor.u32 $0x30, s21  }
0x6f: {  	s19 =	sor.u32 s21, s19;
	[tilespmem:s29+$0x6680] =	vst v1  }
0x70: {  	v1 =	vld [tilespmem:s19+$0x80];
	_ =	sdelay $0x2  }
0x71: {  	s26 =	sadd.s32 $0x2960, s17;
	s17 =	smov.u32 s25;
	s19 =	sadd.s32 $0x14B0, s18  }
0x72: {  	s25 =	sor.u32 s28, s21;
	s21 =	sand.u32 $0x7F00, s26;
	s19 =	sand.u32 $0x70, s19  }
0x73: {  	s19 =	sor.u32 s19, s21;
	[tilespmem:s25+$0x5200] =	vst v1  }
.Ltmp0:
0x74: {  	v1 =	vld [tilespmem:s19+$0x80];
	(pc) =	sbr.rel @p0 .LBB2_2-.Ltmp0, $4  }
0x75: {  	_ = 	snop  }
0x76: {  	s23 =	sadd.s32 $0x200, s23  }
0x77: {  	s18 =	sadd.s32 $0x40, s18;
	s19 =	sshrl.u32 s23, $0x2  }
0x78: {  	s21 =	sand.u32 $0x40, s18;
	s19 =	sand.u32 $0x3F00, s19  }
0x79: {  	s20 =	sor.u32 s21, s19;
	[tilespmem:s25+$0x6680] =	vst v1  }
0x7a: {  	v1 =	vld [tilespmem:s20+$0x80];
	_ =	sdelay $0x3  }
0x7b: {  	s30 =	sadd.s32 $0x40, s24;
	s23 =	sand.u32 $0x3F00, s17  }
0x7c: {  	s31 =	sor.u32 s21, s23;
	[tilespmem:s30+$0x0] =	vst v1  }
0x7d: {  	v1 =	vld [tilespmem:s31+$0x2980];
	_ =	sdelay $0x3  }
0x7e: {  	s22 =	sadd.s32 $0x40, s22;
	s23 =	sor.u32 $0x10, s21  }
0x7f: {  	s24 =	sor.u32 s23, s19;
	[tilespmem:s22+$0x0] =	vst v1  }
0x80: {  	v1 =	vld [tilespmem:s24+$0x80];
	_ =	sdelay $0x2  }
0x81: {  	s25 =	sadd.s32 $0x1490, s18;
	s26 =	sadd.s32 $0x2920, s17;
	s20 =	sand.u32 $0x1F80, s18  }
0x82: {  	s22 =	sor.u32 s20, s23;
	s23 =	sand.u32 $0x50, s25;
	s24 =	sand.u32 $0x7F00, s26  }
0x83: {  	s23 =	sor.u32 s23, s24;
	[tilespmem:s22+$0x5200] =	vst v1  }
0x84: {  	v1 =	vld [tilespmem:s23+$0x80];
	_ =	sdelay $0x3  }
0x85: {  	s28 =	sor.u32 $0x20, s21  }
0x86: {  	s29 =	sor.u32 s28, s19;
	[tilespmem:s22+$0x6680] =	vst v1  }
0x87: {  	v1 =	vld [tilespmem:s29+$0x80];
	_ =	sdelay $0x2  }
0x88: {  	s30 =	sadd.s32 $0x14A0, s18;
	s31 =	sadd.s32 $0x2940, s17  }
0x89: {  	s24 =	sand.u32 $0x7F00, s31;
	s23 =	sor.u32 s20, s28;
	s22 =	sand.u32 $0x60, s30  }
0x8a: {  	s22 =	sor.u32 s22, s24;
	[tilespmem:s23+$0x5200] =	vst v1  }
0x8b: {  	v1 =	vld [tilespmem:s22+$0x80];
	_ =	sdelay $0x3  }
0x8c: {  	s24 =	sor.u32 $0x30, s21  }
0x8d: {  	s25 =	sor.u32 s24, s19;
	[tilespmem:s23+$0x6680] =	vst v1  }
0x8e: {  	v1 =	vld [tilespmem:s25+$0x80];
	_ =	sdelay $0x2  }
0x8f: {  	s26 =	sadd.s32 $0x14B0, s18;
	s28 =	sadd.s32 $0x2960, s17  }
0x90: {  	s18 =	sand.u32 $0x70, s26;
	s17 =	sand.u32 $0x7F00, s28;
	s29 =	sor.u32 s20, s24  }
0x91: {  	s17 =	sor.u32 s18, s17;
	[tilespmem:s29+$0x5200] =	vst v1  }
0x92: {  	v1 =	vld [tilespmem:s17+$0x80];
	_ =	sdelay $0x4  }
0x93: {  	[tilespmem:s29+$0x6680] =	vst v1  }
0x94: {  	[bflag:$0x0] =	sbarrier.arrive $0xFFFF  }
0x95: {  	[spmem:s2] =	stream.indirect.scatter [tilespmem:s12], [sflag:$0x1], $0x1, s12, s11, $0xb8;
	[tilespmem:$0x8000] =	vst v63  }
0x96: {  	_ = 	snop  }
0x97: {  	[spmem:s2] =	stream.indirect.scatter [tilespmem:s13], [sflag:$0x1], $0x1, s13, s11, $0xb8;
	[tilespmem:$0x8000] =	vst v63  }
0x98: {  	_ =	swait.ge [sflag:s10], $0x1480  }
0x99: {  	[sflag:s10] =	ssyncset.done $0x0  }
0x9a: {  	[sflag:s10] =	ssyncadd.s32 $0xFFFFEB80  }
0x9b: {  	s16 =	sadd.s32 $0x1, s16;
	_ =	swait.ge [sflag:s10], $0x1480  }
0x9c: {  	p0 =	sne.s32 s16, s7;
	[sflag:s10] =	ssyncset.done $0x0  }
0x9d: {  	s31 =	sshrl.u32 s5, $0x3;
	s30 =	sshll.u32 s0, $0x6;
	[sflag:s10] =	ssyncadd.s32 $0xFFFFEB80  }
.Ltmp1:
0x9e: {  	s17 =	sor.u32 $0x1C02, s30;
	[bflag:$0x0] =	sbarrier.arrive $0xFFFF;
	(pc) =	sbr.rel @p0 .LBB2_1-.Ltmp1, $4  }
0x9f: {  	[hbm:s6@s14], [sflag:s17] =	dma.strided [spmem:s31@s15], $0x50, s10, $0x10   }
0xa0: {  	_ =	swait.ge [sflag:s9], $0x50  }
0xa1: {  	[sflag:s9] =	ssyncset.done $0x0  }
0xa2: {  	[sflag:s9] =	ssyncadd.s32 $0xFFFFFFB0  }
0xa3: {  	_ =	sfence.sel $0x180000  }
0xa4: {  	[bflag:$0x0] =	sbarrier.arrive $0xFFFF  }
0xa5: {  	p0 =	sne.s32 s0, $0x0;
	_ =	strace $0x90000047  }
0xa6: {  	s0 =	sadd.s32 @!p0 $0x100000, s1;
	[bflag:$0x2] =	sbarrier.arrive $0xFFFF  }
0xa7: {  	[sflag:s0] =	ssyncadd.tile.s32 @!p0 $0x1;
	_ =	shalt  }
.Lfunc_end2:
_tile_overlayer_lowered:
.L_overlay_start_2:
0xa8: {  	(tag) =	ssettag $0x2  }
0xa9: {  	s0 =	rddreg [dreg:$0x0];
	s2 =	stileid.u32  }
0xaa: {  	s1 =	rddreg [dreg:$0x1];
	p0 =	sne.s32 s2, $0x0  }
0xab: {  	s3 =	rddreg [dreg:$0x2];
	[bflag:$0x3] =	sbarrier.arrive $0xFFFF;
	s2 =	simm.s32 @!p0 $0x1C02  }
0xac: {  	[timem:s3], [sflag:s2] =	dma.local @!p0 [hbm:s0], s1  }
0xad: {  	s0 =	simm.s32 @!p0 $0x2  }
0xae: {  	_ =	swait.ge @!p0 [sflag:s0], s1  }
0xaf: {  	s1 =	ssub.s32 @!p0 $0x0, s1;
	[sflag:s0] =	ssyncset.done @!p0 $0x0  }
0xb0: {  	[sflag:s0] =	ssyncadd.s32 @!p0 s1  }
0xb1: {  	[bflag:$0x3] =	sbarrier.arrive $0xFFFF  }
0xb2: {  	_ =	shalt  }

</sc_bundles>
